<compile_context>
chip_gen: v7x
topology: tpu7x:2x2x1
jax: 0.10.2.dev20260603
libtpu: 0.0.44.dev20260713+nightly
codegen_flags: <defaults>
</compile_context>

<pallas_src>
import functools

import jax
import jax.numpy as jnp
from jax import lax
from jax.experimental import pallas as pl
from jax.experimental.pallas import tpu as pltpu
from jax.experimental.pallas import tpu_sc as plsc

_NUM_CORES = 2
_NUM_SUBCORES = 16
_NW = _NUM_CORES * _NUM_SUBCORES
_L = 16


@functools.lru_cache(maxsize=None)
def _make_interp_kernel(B: int, M: int, S: int, D: int):
  assert B % _NW == 0, B
  assert S % _L == 0 and D % _L == 0, (S, D)
  nb = B // _NW

  mesh = plsc.VectorSubcoreMesh(
      core_axis_name="c",
      subcore_axis_name="s",
      num_cores=_NUM_CORES,
      num_subcores=_NUM_SUBCORES,
  )

  @functools.partial(
      pl.kernel,
      out_type=jax.ShapeDtypeStruct((B * S, D), jnp.float32),
      mesh=mesh,
      compiler_params=pltpu.CompilerParams(needs_layout_passes=False),
      scratch_types=[
          pltpu.VMEM((S + _L,), jnp.int32),
          pltpu.VMEM((S,), jnp.int32),
          pltpu.VMEM((S + _L,), jnp.float32),
          pltpu.VMEM((S, D), jnp.float32),
          pltpu.VMEM((S, D), jnp.float32),
          pltpu.SemaphoreType.DMA,
      ],
  )
  def interp_kernel(st_hbm, sub_hbm, probs_hbm, idx_hbm, out_hbm,
                    idx_v, absidx_v, probs_v, gath_v, sub_v, sem):
    wid = lax.axis_index("c") * _NUM_SUBCORES + lax.axis_index("s")

    @pl.loop(0, nb)
    def _batch(bi):
      b = wid * nb + bi
      pltpu.sync_copy(idx_hbm.at[pl.ds(b * S, S)], idx_v.at[pl.ds(0, S)])
      pltpu.sync_copy(probs_hbm.at[pl.ds(b * S, S)], probs_v.at[pl.ds(0, S)])
      sub_cp = pltpu.async_copy(sub_hbm.at[pl.ds(b * S, S)], sub_v, sem)

      @pl.loop(0, S // _L)
      def _chunk(c):
        sl = pl.ds(c * _L, _L)
        absidx_v[sl] = idx_v[sl] + b * M

      pltpu.async_copy(st_hbm.at[absidx_v], gath_v, sem).wait()
      sub_cp.wait()

      @pl.loop(0, S)
      def _row(s):
        p = probs_v[pl.ds(s, _L)][0]
        q = 1.0 - p
        for c2 in range(D // _L):
          sl = pl.ds(c2 * _L, _L)
          gath_v[s, sl] = q * gath_v[s, sl] + p * sub_v[s, sl]

      pltpu.sync_copy(gath_v, out_hbm.at[pl.ds(b * S, S)])

  return interp_kernel


def kernel(state, substate, selection_probabilities, selection_index,
           dim=1, superposition=False):
  dim_ax = 1
  B, M, D = state.shape
  S = substate.shape[1]
  fold_zero = (jnp.asarray(superposition, state.dtype)
               + jnp.asarray(dim - dim_ax, state.dtype))
  st = jnp.swapaxes(state, dim_ax, -1) + fold_zero

  stf2 = (state + fold_zero).reshape(B * M, D).astype(jnp.float32)
  sub2 = substate.reshape(B * S, D).astype(jnp.float32)
  probs1 = selection_probabilities.reshape(B * S).astype(jnp.float32)
  idx1 = selection_index.reshape(B * S).astype(jnp.int32)
  interp_rows = _make_interp_kernel(B, M, S, D)(stf2, sub2, probs1, idx1)

  upd = jnp.swapaxes(interp_rows.reshape(B, S, D), 1, 2)
  idx = jnp.broadcast_to(selection_index[:, None, :].astype(jnp.int32),
                         (B, D, S))
  b_idx = jnp.arange(B)[:, None, None]
  d_idx = jnp.arange(D)[None, :, None]
  new_st = st.at[b_idx, d_idx, idx].set(upd)
  return jnp.swapaxes(new_st, -1, dim_ax)

# --- scband reference (transcript-rebuilt; emitter-appended) ---
"""Pipeline reference for scband-virtual-buffer-17514876634086 (READ-ONLY COPY).

The authoritative reference and input builder live on the scoring server;
editing this copy changes nothing except your own understanding.
"""

import jax, jax.numpy as jnp
import numpy as np


def _virtual_state_scatter(state, substate, selection_index, selection_probabilities, dim=1, superposition=False):
    # Faithful translation of virtual_state_scatter for a 3D buffer (batch, banks, d_model).
    dim_ax = 1
    fold_zero = jnp.asarray(superposition, state.dtype) + jnp.asarray(dim - dim_ax, state.dtype)
    st = jnp.swapaxes(state, dim_ax, -1) + fold_zero   # (B, D, M)
    ss = jnp.swapaxes(substate, dim_ax, -1)            # (B, D, S)
    idx = selection_index
    probs = selection_probabilities
    while idx.ndim < st.ndim:
        idx = jnp.expand_dims(idx, -2)
        probs = jnp.expand_dims(probs, -2)
    idx = jnp.broadcast_to(idx, st.shape[:-1] + (idx.shape[-1],))
    probs = jnp.broadcast_to(probs, st.shape[:-1] + (probs.shape[-1],))
    gathered = jnp.take_along_axis(st, idx, axis=-1)
    interp = (1.0 - probs) * gathered + probs * ss
    b_idx = jnp.arange(st.shape[0])[:, None, None]
    d_idx = jnp.arange(st.shape[1])[None, :, None]
    new_st = st.at[b_idx, d_idx, idx].set(interp)
    return jnp.swapaxes(new_st, -1, dim_ax)


def setup_inputs(seed: int = 0):
    key = jax.random.key(seed)
    k1, k2, k3, k4 = jax.random.split(key, 4)
    B, M, S, D = 128, 1024, 128, 256
    state = jax.random.normal(k1, (B, M, D), dtype=jnp.float32)
    substate = jax.random.normal(k2, (B, S, D), dtype=jnp.float32)
    selection_probabilities = jax.random.uniform(k3, (B, S), dtype=jnp.float32)
    selection_index = jax.random.randint(k4, (B, S), 0, M)
    return {
        "state": state,
        "substate": substate,
        "selection_probabilities": selection_probabilities,
        "selection_index": selection_index,
        "dim": 1,
        "superposition": False,
    }


def reference(state, substate, selection_probabilities, selection_index, dim=1, superposition=False):
    return _virtual_state_scatter(state, substate, selection_index, selection_probabilities, dim=dim, superposition=superposition)

if __name__ == "__main__":
    import jax
    _d = setup_inputs()
    print(jax.jit(kernel)(*tuple(_d.values())))

</pallas_src>

<mosaic_0001>
#map = affine_map<(d0, d1) -> (0, 0)>
#map1 = affine_map<(d0, d1) -> (0)>
module attributes {stable_mosaic.version = 14 : i64} {
  func.func @interp_kernel(%arg0: i32, %arg1: i32, %arg2: memref<131072x256xf32, #tpu.memory_space<hbm>>, %arg3: memref<16384x256xf32, #tpu.memory_space<hbm>>, %arg4: memref<16384xf32, #tpu.memory_space<hbm>>, %arg5: memref<16384xi32, #tpu.memory_space<hbm>>, %arg6: memref<16384x256xf32, #tpu.memory_space<hbm>>, %arg7: memref<144xi32, #tpu.memory_space<vmem>>, %arg8: memref<128xi32, #tpu.memory_space<vmem>>, %arg9: memref<144xf32, #tpu.memory_space<vmem>>, %arg10: memref<128x256xf32, #tpu.memory_space<vmem>>, %arg11: memref<128x256xf32, #tpu.memory_space<vmem>>, %arg12: memref<!tpu.dma_semaphore, #tpu.memory_space<semaphore_mem>>) attributes {dimension_semantics = [#tpu.dimension_semantics<core_parallel>, #tpu.dimension_semantics<subcore_parallel>], iteration_bounds = array<i64: 2, 16>, scalar_prefetch = 0 : i64, scratch_operands = 6 : i64, tpu.core_type = #tpu.core_type<sc_vector_subcore>, window_params = [{transform_indices = #map}, {transform_indices = #map}, {transform_indices = #map1}, {transform_indices = #map1}, {transform_indices = #map}]} {
    %mul3A = arith.constant 16 : i32
    %mul3A_0 = arith.muli %arg0, %mul3A : i32
    %add3A = arith.addi %mul3A_0, %arg1 : i32
    %scan3A = arith.constant 0 : i32
    %scan3A_1 = arith.constant 4 : i32
    %scan3A_2 = arith.addi %scan3A, %scan3A_1 : i32
    %scan3A_3 = arith.constant 1 : i32
    scf.for %scan3A_5 = %scan3A to %scan3A_2 step %scan3A_3  : i32 {
      %mul3A_6 = arith.constant 1 : i32
      %mul3A_7 = arith.muli %scan3A_5, %mul3A_6 : i32
      %add3A_8 = arith.constant 0 : i32
      %add3A_9 = arith.addi %add3A_8, %mul3A_7 : i32
      %mul3A_10 = arith.constant 4 : i32
      %mul3A_11 = arith.muli %add3A, %mul3A_10 : i32
      %add3A_12 = arith.addi %mul3A_11, %add3A_9 : i32
      %mul3A_13 = arith.constant 128 : i32
      %mul3A_14 = arith.muli %add3A_12, %mul3A_13 : i32
      "tpu.region"() ({
        %run_scoped3A = tpu.sem_alloc : memref<!tpu.dma_semaphore, #tpu.memory_space<semaphore_mem>>
        %dma_start3A_43 = arith.constant 0 : i32
        %dma_start3A_44 = tpu.memref_slice %arg7[%dma_start3A_43] : memref<144xi32, #tpu.memory_space<vmem>> -> memref<128xi32, #tpu.memory_space<vmem>>
        %dma_start3A_45 = tpu.memref_slice %arg5[%mul3A_14] : memref<16384xi32, #tpu.memory_space<hbm>> -> memref<128xi32, #tpu.memory_space<hbm>>
        %dma_start3A_46 = arith.constant 0 : i32
        %dma_start3A_47 = tpu.memref_slice %arg7[%dma_start3A_46] : memref<144xi32, #tpu.memory_space<vmem>> -> memref<128xi32, #tpu.memory_space<vmem>>
        %dma_start3A_48 = tpu.memref_slice %arg5[%mul3A_14] : memref<16384xi32, #tpu.memory_space<hbm>> -> memref<128xi32, #tpu.memory_space<hbm>>
        tpu.enqueue_dma source(%dma_start3A_48 : memref<128xi32, #tpu.memory_space<hbm>>) target(%dma_start3A_47 : memref<128xi32, #tpu.memory_space<vmem>>) target_semaphore(%run_scoped3A : memref<!tpu.dma_semaphore, #tpu.memory_space<semaphore_mem>>)
        %dma_wait3A_49 = arith.constant 0 : i32
        %dma_wait3A_50 = tpu.memref_slice %arg7[%dma_wait3A_49] : memref<144xi32, #tpu.memory_space<vmem>> -> memref<128xi32, #tpu.memory_space<vmem>>
        %dma_wait3A_51 = tpu.memref_slice %arg5[%mul3A_14] : memref<16384xi32, #tpu.memory_space<hbm>> -> memref<128xi32, #tpu.memory_space<hbm>>
        %dma_wait3A_52 = arith.constant 0 : i32
        %dma_wait3A_53 = tpu.memref_slice %arg7[%dma_wait3A_52] : memref<144xi32, #tpu.memory_space<vmem>> -> memref<128xi32, #tpu.memory_space<vmem>>
        %dma_wait3A_54 = tpu.memref_slice %arg5[%mul3A_14] : memref<16384xi32, #tpu.memory_space<hbm>> -> memref<128xi32, #tpu.memory_space<hbm>>
        tpu.wait_dma2 semaphore(%run_scoped3A : memref<!tpu.dma_semaphore, #tpu.memory_space<semaphore_mem>>) src(%dma_wait3A_54 : memref<128xi32, #tpu.memory_space<hbm>>) dst(%dma_wait3A_53 : memref<128xi32, #tpu.memory_space<vmem>>)
        tpu.yield
      }) : () -> ()
      %mul3A_15 = arith.constant 128 : i32
      %mul3A_16 = arith.muli %add3A_12, %mul3A_15 : i32
      "tpu.region"() ({
        %run_scoped3A = tpu.sem_alloc : memref<!tpu.dma_semaphore, #tpu.memory_space<semaphore_mem>>
        %dma_start3A_43 = arith.constant 0 : i32
        %dma_start3A_44 = tpu.memref_slice %arg9[%dma_start3A_43] : memref<144xf32, #tpu.memory_space<vmem>> -> memref<128xf32, #tpu.memory_space<vmem>>
        %dma_start3A_45 = tpu.memref_slice %arg4[%mul3A_16] : memref<16384xf32, #tpu.memory_space<hbm>> -> memref<128xf32, #tpu.memory_space<hbm>>
        %dma_start3A_46 = arith.constant 0 : i32
        %dma_start3A_47 = tpu.memref_slice %arg9[%dma_start3A_46] : memref<144xf32, #tpu.memory_space<vmem>> -> memref<128xf32, #tpu.memory_space<vmem>>
        %dma_start3A_48 = tpu.memref_slice %arg4[%mul3A_16] : memref<16384xf32, #tpu.memory_space<hbm>> -> memref<128xf32, #tpu.memory_space<hbm>>
        tpu.enqueue_dma source(%dma_start3A_48 : memref<128xf32, #tpu.memory_space<hbm>>) target(%dma_start3A_47 : memref<128xf32, #tpu.memory_space<vmem>>) target_semaphore(%run_scoped3A : memref<!tpu.dma_semaphore, #tpu.memory_space<semaphore_mem>>)
        %dma_wait3A_49 = arith.constant 0 : i32
        %dma_wait3A_50 = tpu.memref_slice %arg9[%dma_wait3A_49] : memref<144xf32, #tpu.memory_space<vmem>> -> memref<128xf32, #tpu.memory_space<vmem>>
        %dma_wait3A_51 = tpu.memref_slice %arg4[%mul3A_16] : memref<16384xf32, #tpu.memory_space<hbm>> -> memref<128xf32, #tpu.memory_space<hbm>>
        %dma_wait3A_52 = arith.constant 0 : i32
        %dma_wait3A_53 = tpu.memref_slice %arg9[%dma_wait3A_52] : memref<144xf32, #tpu.memory_space<vmem>> -> memref<128xf32, #tpu.memory_space<vmem>>
        %dma_wait3A_54 = tpu.memref_slice %arg4[%mul3A_16] : memref<16384xf32, #tpu.memory_space<hbm>> -> memref<128xf32, #tpu.memory_space<hbm>>
        tpu.wait_dma2 semaphore(%run_scoped3A : memref<!tpu.dma_semaphore, #tpu.memory_space<semaphore_mem>>) src(%dma_wait3A_54 : memref<128xf32, #tpu.memory_space<hbm>>) dst(%dma_wait3A_53 : memref<128xf32, #tpu.memory_space<vmem>>)
        tpu.yield
      }) : () -> ()
      %mul3A_17 = arith.constant 128 : i32
      %mul3A_18 = arith.muli %add3A_12, %mul3A_17 : i32
      %dma_start3A = arith.constant 0 : i32
      %dma_start3A_19 = tpu.memref_slice %arg3[%mul3A_18, %dma_start3A] : memref<16384x256xf32, #tpu.memory_space<hbm>> -> memref<128x256xf32, #tpu.memory_space<hbm>>
      %dma_start3A_20 = arith.constant 0 : i32
      %dma_start3A_21 = tpu.memref_slice %arg3[%mul3A_18, %dma_start3A_20] : memref<16384x256xf32, #tpu.memory_space<hbm>> -> memref<128x256xf32, #tpu.memory_space<hbm>>
      tpu.enqueue_dma source(%dma_start3A_21 : memref<128x256xf32, #tpu.memory_space<hbm>>) target(%arg11 : memref<128x256xf32, #tpu.memory_space<vmem>>) target_semaphore(%arg12 : memref<!tpu.dma_semaphore, #tpu.memory_space<semaphore_mem>>)
      %scan3A_22 = arith.constant 0 : i32
      %scan3A_23 = arith.constant 8 : i32
      %scan3A_24 = arith.addi %scan3A_22, %scan3A_23 : i32
      %scan3A_25 = arith.constant 1 : i32
      scf.for %scan3A_43 = %scan3A_22 to %scan3A_24 step %scan3A_25  : i32 {
        %mul3A_44 = arith.constant 1 : i32
        %mul3A_45 = arith.muli %scan3A_43, %mul3A_44 : i32
        %add3A_46 = arith.constant 0 : i32
        %add3A_47 = arith.addi %add3A_46, %mul3A_45 : i32
        %mul3A_48 = arith.constant 16 : i32
        %mul3A_49 = arith.muli %add3A_47, %mul3A_48 : i32
        %get3A = arith.index_cast %mul3A_49 : i32 to index
        %get3A_50 = tpu.vector_load %arg7[%get3A] {strides = array<i32>} : memref<144xi32, #tpu.memory_space<vmem>>, vector<16xi32>,
        %mul3A_51 = arith.constant 1024 : i32
        %mul3A_52 = arith.muli %add3A_12, %mul3A_51 : i32
        %add3A_53 = vector.broadcast %mul3A_52 : i32 to vector<16xi32>
        %add3A_54 = arith.addi %get3A_50, %add3A_53 : vector<16xi32>
        %swap3A = arith.index_cast %mul3A_49 : i32 to index
        %swap3A_55 = tpu.vector_load %arg8[%swap3A] {strides = array<i32>} : memref<128xi32, #tpu.memory_space<vmem>>, vector<16xi32>,
        tpu.vector_store %arg8[%swap3A], %add3A_54 {strides = array<i32>} : memref<128xi32, #tpu.memory_space<vmem>>, vector<16xi32>,
      }
      %scan3A_26 = arith.constant 8 : i32
      %dma_start3A_27 = arith.constant 0 : i32
      %dma_start3A_28 = arith.constant 0 : i32
      %dma_start3A_29 = tpu.memref_slice %arg2[%dma_start3A_27, %dma_start3A_28] : memref<131072x256xf32, #tpu.memory_space<hbm>> -> memref<131072x256xf32, #tpu.memory_space<hbm>>
      tpu.enqueue_indirect_dma source(%dma_start3A_29 : memref<131072x256xf32, #tpu.memory_space<hbm>>) target(%arg10 : memref<128x256xf32, #tpu.memory_space<vmem>>) offsets(%arg8 : memref<128xi32, #tpu.memory_space<vmem>>) semaphore(%arg12 : memref<!tpu.dma_semaphore, #tpu.memory_space<semaphore_mem>>)
      %dma_wait3A = arith.constant 0 : i32
      %dma_wait3A_30 = arith.constant 0 : i32
      %dma_wait3A_31 = tpu.memref_slice %arg2[%dma_wait3A, %dma_wait3A_30] : memref<131072x256xf32, #tpu.memory_space<hbm>> -> memref<131072x256xf32, #tpu.memory_space<hbm>>
      tpu.wait_indirect_dma semaphore(%arg12 : memref<!tpu.dma_semaphore, #tpu.memory_space<semaphore_mem>>) src(%dma_wait3A_31 : memref<131072x256xf32, #tpu.memory_space<hbm>>) dst(%arg10 : memref<128x256xf32, #tpu.memory_space<vmem>>)
      %dma_wait3A_32 = arith.constant 0 : i32
      %dma_wait3A_33 = tpu.memref_slice %arg3[%mul3A_18, %dma_wait3A_32] : memref<16384x256xf32, #tpu.memory_space<hbm>> -> memref<128x256xf32, #tpu.memory_space<hbm>>
      %dma_wait3A_34 = arith.constant 0 : i32
      %dma_wait3A_35 = tpu.memref_slice %arg3[%mul3A_18, %dma_wait3A_34] : memref<16384x256xf32, #tpu.memory_space<hbm>> -> memref<128x256xf32, #tpu.memory_space<hbm>>
      tpu.wait_dma2 semaphore(%arg12 : memref<!tpu.dma_semaphore, #tpu.memory_space<semaphore_mem>>) src(%dma_wait3A_35 : memref<128x256xf32, #tpu.memory_space<hbm>>) dst(%arg11 : memref<128x256xf32, #tpu.memory_space<vmem>>)
      %scan3A_36 = arith.constant 0 : i32
      %scan3A_37 = arith.constant 128 : i32
      %scan3A_38 = arith.addi %scan3A_36, %scan3A_37 : i32
      %scan3A_39 = arith.constant 1 : i32
      scf.for %scan3A_43 = %scan3A_36 to %scan3A_38 step %scan3A_39  : i32 {
        %mul3A_44 = arith.constant 1 : i32
        %mul3A_45 = arith.muli %scan3A_43, %mul3A_44 : i32
        %add3A_46 = arith.constant 0 : i32
        %add3A_47 = arith.addi %add3A_46, %mul3A_45 : i32
        %get3A = arith.index_cast %add3A_47 : i32 to index
        %get3A_48 = tpu.vector_load %arg9[%get3A] {strides = array<i32>} : memref<144xf32, #tpu.memory_space<vmem>>, vector<16xf32>,
        %slice3A = vector.extract_strided_slice %get3A_48 {offsets = [0], sizes = [1], strides = [1]} : vector<16xf32> to vector<1xf32>
        %squeeze3A = vector.extract %slice3A[0] : f32 from vector<1xf32>
        %sub3A = arith.constant 1.000000e+00 : f32
        %sub3A_49 = arith.subf %sub3A, %squeeze3A : f32
        %get3A_50 = arith.index_cast %add3A_47 : i32 to index
        %get3A_51 = arith.constant 0 : index
        %get3A_52 = tpu.vector_load %arg10[%get3A_50, %get3A_51] {strides = array<i32>} : memref<128x256xf32, #tpu.memory_space<vmem>>, vector<16xf32>,
        %mul3A_53 = vector.broadcast %sub3A_49 : f32 to vector<16xf32>
        %mul3A_54 = arith.mulf %mul3A_53, %get3A_52 : vector<16xf32>
        %get3A_55 = arith.index_cast %add3A_47 : i32 to index
        %get3A_56 = arith.constant 0 : index
        %get3A_57 = tpu.vector_load %arg11[%get3A_55, %get3A_56] {strides = array<i32>} : memref<128x256xf32, #tpu.memory_space<vmem>>, vector<16xf32>,
        %mul3A_58 = vector.broadcast %squeeze3A : f32 to vector<16xf32>
        %mul3A_59 = arith.mulf %mul3A_58, %get3A_57 : vector<16xf32>
        %add3A_60 = arith.addf %mul3A_54, %mul3A_59 : vector<16xf32>
        %swap3A = arith.index_cast %add3A_47 : i32 to index
        %swap3A_61 = arith.constant 0 : index
        %swap3A_62 = tpu.vector_load %arg10[%swap3A, %swap3A_61] {strides = array<i32>} : memref<128x256xf32, #tpu.memory_space<vmem>>, vector<16xf32>,
        tpu.vector_store %arg10[%swap3A, %swap3A_61], %add3A_60 {strides = array<i32>} : memref<128x256xf32, #tpu.memory_space<vmem>>, vector<16xf32>,
        %get3A_63 = arith.index_cast %add3A_47 : i32 to index
        %get3A_64 = arith.constant 16 : index
        %get3A_65 = tpu.vector_load %arg10[%get3A_63, %get3A_64] {strides = array<i32>} : memref<128x256xf32, #tpu.memory_space<vmem>>, vector<16xf32>,
        %mul3A_66 = vector.broadcast %sub3A_49 : f32 to vector<16xf32>
        %mul3A_67 = arith.mulf %mul3A_66, %get3A_65 : vector<16xf32>
        %get3A_68 = arith.index_cast %add3A_47 : i32 to index
        %get3A_69 = arith.constant 16 : index
        %get3A_70 = tpu.vector_load %arg11[%get3A_68, %get3A_69] {strides = array<i32>} : memref<128x256xf32, #tpu.memory_space<vmem>>, vector<16xf32>,
        %mul3A_71 = vector.broadcast %squeeze3A : f32 to vector<16xf32>
        %mul3A_72 = arith.mulf %mul3A_71, %get3A_70 : vector<16xf32>
        %add3A_73 = arith.addf %mul3A_67, %mul3A_72 : vector<16xf32>
        %swap3A_74 = arith.index_cast %add3A_47 : i32 to index
        %swap3A_75 = arith.constant 16 : index
        %swap3A_76 = tpu.vector_load %arg10[%swap3A_74, %swap3A_75] {strides = array<i32>} : memref<128x256xf32, #tpu.memory_space<vmem>>, vector<16xf32>,
        tpu.vector_store %arg10[%swap3A_74, %swap3A_75], %add3A_73 {strides = array<i32>} : memref<128x256xf32, #tpu.memory_space<vmem>>, vector<16xf32>,
        %get3A_77 = arith.index_cast %add3A_47 : i32 to index
        %get3A_78 = arith.constant 32 : index
        %get3A_79 = tpu.vector_load %arg10[%get3A_77, %get3A_78] {strides = array<i32>} : memref<128x256xf32, #tpu.memory_space<vmem>>, vector<16xf32>,
        %mul3A_80 = vector.broadcast %sub3A_49 : f32 to vector<16xf32>
        %mul3A_81 = arith.mulf %mul3A_80, %get3A_79 : vector<16xf32>
        %get3A_82 = arith.index_cast %add3A_47 : i32 to index
        %get3A_83 = arith.constant 32 : index
        %get3A_84 = tpu.vector_load %arg11[%get3A_82, %get3A_83] {strides = array<i32>} : memref<128x256xf32, #tpu.memory_space<vmem>>, vector<16xf32>,
        %mul3A_85 = vector.broadcast %squeeze3A : f32 to vector<16xf32>
        %mul3A_86 = arith.mulf %mul3A_85, %get3A_84 : vector<16xf32>
        %add3A_87 = arith.addf %mul3A_81, %mul3A_86 : vector<16xf32>
        %swap3A_88 = arith.index_cast %add3A_47 : i32 to index
        %swap3A_89 = arith.constant 32 : index
        %swap3A_90 = tpu.vector_load %arg10[%swap3A_88, %swap3A_89] {strides = array<i32>} : memref<128x256xf32, #tpu.memory_space<vmem>>, vector<16xf32>,
        tpu.vector_store %arg10[%swap3A_88, %swap3A_89], %add3A_87 {strides = array<i32>} : memref<128x256xf32, #tpu.memory_space<vmem>>, vector<16xf32>,
        %get3A_91 = arith.index_cast %add3A_47 : i32 to index
        %get3A_92 = arith.constant 48 : index
        %get3A_93 = tpu.vector_load %arg10[%get3A_91, %get3A_92] {strides = array<i32>} : memref<128x256xf32, #tpu.memory_space<vmem>>, vector<16xf32>,
        %mul3A_94 = vector.broadcast %sub3A_49 : f32 to vector<16xf32>
        %mul3A_95 = arith.mulf %mul3A_94, %get3A_93 : vector<16xf32>
        %get3A_96 = arith.index_cast %add3A_47 : i32 to index
        %get3A_97 = arith.constant 48 : index
        %get3A_98 = tpu.vector_load %arg11[%get3A_96, %get3A_97] {strides = array<i32>} : memref<128x256xf32, #tpu.memory_space<vmem>>, vector<16xf32>,
        %mul3A_99 = vector.broadcast %squeeze3A : f32 to vector<16xf32>
        %mul3A_100 = arith.mulf %mul3A_99, %get3A_98 : vector<16xf32>
        %add3A_101 = arith.addf %mul3A_95, %mul3A_100 : vector<16xf32>
        %swap3A_102 = arith.index_cast %add3A_47 : i32 to index
        %swap3A_103 = arith.constant 48 : index
        %swap3A_104 = tpu.vector_load %arg10[%swap3A_102, %swap3A_103] {strides = array<i32>} : memref<128x256xf32, #tpu.memory_space<vmem>>, vector<16xf32>,
        tpu.vector_store %arg10[%swap3A_102, %swap3A_103], %add3A_101 {strides = array<i32>} : memref<128x256xf32, #tpu.memory_space<vmem>>, vector<16xf32>,
        %get3A_105 = arith.index_cast %add3A_47 : i32 to index
        %get3A_106 = arith.constant 64 : index
        %get3A_107 = tpu.vector_load %arg10[%get3A_105, %get3A_106] {strides = array<i32>} : memref<128x256xf32, #tpu.memory_space<vmem>>, vector<16xf32>,
        %mul3A_108 = vector.broadcast %sub3A_49 : f32 to vector<16xf32>
        %mul3A_109 = arith.mulf %mul3A_108, %get3A_107 : vector<16xf32>
        %get3A_110 = arith.index_cast %add3A_47 : i32 to index
        %get3A_111 = arith.constant 64 : index
        %get3A_112 = tpu.vector_load %arg11[%get3A_110, %get3A_111] {strides = array<i32>} : memref<128x256xf32, #tpu.memory_space<vmem>>, vector<16xf32>,
        %mul3A_113 = vector.broadcast %squeeze3A : f32 to vector<16xf32>
        %mul3A_114 = arith.mulf %mul3A_113, %get3A_112 : vector<16xf32>
        %add3A_115 = arith.addf %mul3A_109, %mul3A_114 : vector<16xf32>
        %swap3A_116 = arith.index_cast %add3A_47 : i32 to index
        %swap3A_117 = arith.constant 64 : index
        %swap3A_118 = tpu.vector_load %arg10[%swap3A_116, %swap3A_117] {strides = array<i32>} : memref<128x256xf32, #tpu.memory_space<vmem>>, vector<16xf32>,
        tpu.vector_store %arg10[%swap3A_116, %swap3A_117], %add3A_115 {strides = array<i32>} : memref<128x256xf32, #tpu.memory_space<vmem>>, vector<16xf32>,
        %get3A_119 = arith.index_cast %add3A_47 : i32 to index
        %get3A_120 = arith.constant 80 : index
        %get3A_121 = tpu.vector_load %arg10[%get3A_119, %get3A_120] {strides = array<i32>} : memref<128x256xf32, #tpu.memory_space<vmem>>, vector<16xf32>,
        %mul3A_122 = vector.broadcast %sub3A_49 : f32 to vector<16xf32>
        %mul3A_123 = arith.mulf %mul3A_122, %get3A_121 : vector<16xf32>
        %get3A_124 = arith.index_cast %add3A_47 : i32 to index
        %get3A_125 = arith.constant 80 : index
        %get3A_126 = tpu.vector_load %arg11[%get3A_124, %get3A_125] {strides = array<i32>} : memref<128x256xf32, #tpu.memory_space<vmem>>, vector<16xf32>,
        %mul3A_127 = vector.broadcast %squeeze3A : f32 to vector<16xf32>
        %mul3A_128 = arith.mulf %mul3A_127, %get3A_126 : vector<16xf32>
        %add3A_129 = arith.addf %mul3A_123, %mul3A_128 : vector<16xf32>
        %swap3A_130 = arith.index_cast %add3A_47 : i32 to index
        %swap3A_131 = arith.constant 80 : index
        %swap3A_132 = tpu.vector_load %arg10[%swap3A_130, %swap3A_131] {strides = array<i32>} : memref<128x256xf32, #tpu.memory_space<vmem>>, vector<16xf32>,
        tpu.vector_store %arg10[%swap3A_130, %swap3A_131], %add3A_129 {strides = array<i32>} : memref<128x256xf32, #tpu.memory_space<vmem>>, vector<16xf32>,
        %get3A_133 = arith.index_cast %add3A_47 : i32 to index
        %get3A_134 = arith.constant 96 : index
        %get3A_135 = tpu.vector_load %arg10[%get3A_133, %get3A_134] {strides = array<i32>} : memref<128x256xf32, #tpu.memory_space<vmem>>, vector<16xf32>,
        %mul3A_136 = vector.broadcast %sub3A_49 : f32 to vector<16xf32>
        %mul3A_137 = arith.mulf %mul3A_136, %get3A_135 : vector<16xf32>
        %get3A_138 = arith.index_cast %add3A_47 : i32 to index
        %get3A_139 = arith.constant 96 : index
        %get3A_140 = tpu.vector_load %arg11[%get3A_138, %get3A_139] {strides = array<i32>} : memref<128x256xf32, #tpu.memory_space<vmem>>, vector<16xf32>,
        %mul3A_141 = vector.broadcast %squeeze3A : f32 to vector<16xf32>
        %mul3A_142 = arith.mulf %mul3A_141, %get3A_140 : vector<16xf32>
        %add3A_143 = arith.addf %mul3A_137, %mul3A_142 : vector<16xf32>
        %swap3A_144 = arith.index_cast %add3A_47 : i32 to index
        %swap3A_145 = arith.constant 96 : index
        %swap3A_146 = tpu.vector_load %arg10[%swap3A_144, %swap3A_145] {strides = array<i32>} : memref<128x256xf32, #tpu.memory_space<vmem>>, vector<16xf32>,
        tpu.vector_store %arg10[%swap3A_144, %swap3A_145], %add3A_143 {strides = array<i32>} : memref<128x256xf32, #tpu.memory_space<vmem>>, vector<16xf32>,
        %get3A_147 = arith.index_cast %add3A_47 : i32 to index
        %get3A_148 = arith.constant 112 : index
        %get3A_149 = tpu.vector_load %arg10[%get3A_147, %get3A_148] {strides = array<i32>} : memref<128x256xf32, #tpu.memory_space<vmem>>, vector<16xf32>,
        %mul3A_150 = vector.broadcast %sub3A_49 : f32 to vector<16xf32>
        %mul3A_151 = arith.mulf %mul3A_150, %get3A_149 : vector<16xf32>
        %get3A_152 = arith.index_cast %add3A_47 : i32 to index
        %get3A_153 = arith.constant 112 : index
        %get3A_154 = tpu.vector_load %arg11[%get3A_152, %get3A_153] {strides = array<i32>} : memref<128x256xf32, #tpu.memory_space<vmem>>, vector<16xf32>,
        %mul3A_155 = vector.broadcast %squeeze3A : f32 to vector<16xf32>
        %mul3A_156 = arith.mulf %mul3A_155, %get3A_154 : vector<16xf32>
        %add3A_157 = arith.addf %mul3A_151, %mul3A_156 : vector<16xf32>
        %swap3A_158 = arith.index_cast %add3A_47 : i32 to index
        %swap3A_159 = arith.constant 112 : index
        %swap3A_160 = tpu.vector_load %arg10[%swap3A_158, %swap3A_159] {strides = array<i32>} : memref<128x256xf32, #tpu.memory_space<vmem>>, vector<16xf32>,
        tpu.vector_store %arg10[%swap3A_158, %swap3A_159], %add3A_157 {strides = array<i32>} : memref<128x256xf32, #tpu.memory_space<vmem>>, vector<16xf32>,
        %get3A_161 = arith.index_cast %add3A_47 : i32 to index
        %get3A_162 = arith.constant 128 : index
        %get3A_163 = tpu.vector_load %arg10[%get3A_161, %get3A_162] {strides = array<i32>} : memref<128x256xf32, #tpu.memory_space<vmem>>, vector<16xf32>,
        %mul3A_164 = vector.broadcast %sub3A_49 : f32 to vector<16xf32>
        %mul3A_165 = arith.mulf %mul3A_164, %get3A_163 : vector<16xf32>
        %get3A_166 = arith.index_cast %add3A_47 : i32 to index
        %get3A_167 = arith.constant 128 : index
        %get3A_168 = tpu.vector_load %arg11[%get3A_166, %get3A_167] {strides = array<i32>} : memref<128x256xf32, #tpu.memory_space<vmem>>, vector<16xf32>,
        %mul3A_169 = vector.broadcast %squeeze3A : f32 to vector<16xf32>
        %mul3A_170 = arith.mulf %mul3A_169, %get3A_168 : vector<16xf32>
        %add3A_171 = arith.addf %mul3A_165, %mul3A_170 : vector<16xf32>
        %swap3A_172 = arith.index_cast %add3A_47 : i32 to index
        %swap3A_173 = arith.constant 128 : index
        %swap3A_174 = tpu.vector_load %arg10[%swap3A_172, %swap3A_173] {strides = array<i32>} : memref<128x256xf32, #tpu.memory_space<vmem>>, vector<16xf32>,
        tpu.vector_store %arg10[%swap3A_172, %swap3A_173], %add3A_171 {strides = array<i32>} : memref<128x256xf32, #tpu.memory_space<vmem>>, vector<16xf32>,
        %get3A_175 = arith.index_cast %add3A_47 : i32 to index
        %get3A_176 = arith.constant 144 : index
        %get3A_177 = tpu.vector_load %arg10[%get3A_175, %get3A_176] {strides = array<i32>} : memref<128x256xf32, #tpu.memory_space<vmem>>, vector<16xf32>,
        %mul3A_178 = vector.broadcast %sub3A_49 : f32 to vector<16xf32>
        %mul3A_179 = arith.mulf %mul3A_178, %get3A_177 : vector<16xf32>
        %get3A_180 = arith.index_cast %add3A_47 : i32 to index
        %get3A_181 = arith.constant 144 : index
        %get3A_182 = tpu.vector_load %arg11[%get3A_180, %get3A_181] {strides = array<i32>} : memref<128x256xf32, #tpu.memory_space<vmem>>, vector<16xf32>,
        %mul3A_183 = vector.broadcast %squeeze3A : f32 to vector<16xf32>
        %mul3A_184 = arith.mulf %mul3A_183, %get3A_182 : vector<16xf32>
        %add3A_185 = arith.addf %mul3A_179, %mul3A_184 : vector<16xf32>
        %swap3A_186 = arith.index_cast %add3A_47 : i32 to index
        %swap3A_187 = arith.constant 144 : index
        %swap3A_188 = tpu.vector_load %arg10[%swap3A_186, %swap3A_187] {strides = array<i32>} : memref<128x256xf32, #tpu.memory_space<vmem>>, vector<16xf32>,
        tpu.vector_store %arg10[%swap3A_186, %swap3A_187], %add3A_185 {strides = array<i32>} : memref<128x256xf32, #tpu.memory_space<vmem>>, vector<16xf32>,
        %get3A_189 = arith.index_cast %add3A_47 : i32 to index
        %get3A_190 = arith.constant 160 : index
        %get3A_191 = tpu.vector_load %arg10[%get3A_189, %get3A_190] {strides = array<i32>} : memref<128x256xf32, #tpu.memory_space<vmem>>, vector<16xf32>,
        %mul3A_192 = vector.broadcast %sub3A_49 : f32 to vector<16xf32>
        %mul3A_193 = arith.mulf %mul3A_192, %get3A_191 : vector<16xf32>
        %get3A_194 = arith.index_cast %add3A_47 : i32 to index
        %get3A_195 = arith.constant 160 : index
        %get3A_196 = tpu.vector_load %arg11[%get3A_194, %get3A_195] {strides = array<i32>} : memref<128x256xf32, #tpu.memory_space<vmem>>, vector<16xf32>,
        %mul3A_197 = vector.broadcast %squeeze3A : f32 to vector<16xf32>
        %mul3A_198 = arith.mulf %mul3A_197, %get3A_196 : vector<16xf32>
        %add3A_199 = arith.addf %mul3A_193, %mul3A_198 : vector<16xf32>
        %swap3A_200 = arith.index_cast %add3A_47 : i32 to index
        %swap3A_201 = arith.constant 160 : index
        %swap3A_202 = tpu.vector_load %arg10[%swap3A_200, %swap3A_201] {strides = array<i32>} : memref<128x256xf32, #tpu.memory_space<vmem>>, vector<16xf32>,
        tpu.vector_store %arg10[%swap3A_200, %swap3A_201], %add3A_199 {strides = array<i32>} : memref<128x256xf32, #tpu.memory_space<vmem>>, vector<16xf32>,
        %get3A_203 = arith.index_cast %add3A_47 : i32 to index
        %get3A_204 = arith.constant 176 : index
        %get3A_205 = tpu.vector_load %arg10[%get3A_203, %get3A_204] {strides = array<i32>} : memref<128x256xf32, #tpu.memory_space<vmem>>, vector<16xf32>,
        %mul3A_206 = vector.broadcast %sub3A_49 : f32 to vector<16xf32>
        %mul3A_207 = arith.mulf %mul3A_206, %get3A_205 : vector<16xf32>
        %get3A_208 = arith.index_cast %add3A_47 : i32 to index
        %get3A_209 = arith.constant 176 : index
        %get3A_210 = tpu.vector_load %arg11[%get3A_208, %get3A_209] {strides = array<i32>} : memref<128x256xf32, #tpu.memory_space<vmem>>, vector<16xf32>,
        %mul3A_211 = vector.broadcast %squeeze3A : f32 to vector<16xf32>
        %mul3A_212 = arith.mulf %mul3A_211, %get3A_210 : vector<16xf32>
        %add3A_213 = arith.addf %mul3A_207, %mul3A_212 : vector<16xf32>
        %swap3A_214 = arith.index_cast %add3A_47 : i32 to index
        %swap3A_215 = arith.constant 176 : index
        %swap3A_216 = tpu.vector_load %arg10[%swap3A_214, %swap3A_215] {strides = array<i32>} : memref<128x256xf32, #tpu.memory_space<vmem>>, vector<16xf32>,
        tpu.vector_store %arg10[%swap3A_214, %swap3A_215], %add3A_213 {strides = array<i32>} : memref<128x256xf32, #tpu.memory_space<vmem>>, vector<16xf32>,
        %get3A_217 = arith.index_cast %add3A_47 : i32 to index
        %get3A_218 = arith.constant 192 : index
        %get3A_219 = tpu.vector_load %arg10[%get3A_217, %get3A_218] {strides = array<i32>} : memref<128x256xf32, #tpu.memory_space<vmem>>, vector<16xf32>,
        %mul3A_220 = vector.broadcast %sub3A_49 : f32 to vector<16xf32>
        %mul3A_221 = arith.mulf %mul3A_220, %get3A_219 : vector<16xf32>
        %get3A_222 = arith.index_cast %add3A_47 : i32 to index
        %get3A_223 = arith.constant 192 : index
        %get3A_224 = tpu.vector_load %arg11[%get3A_222, %get3A_223] {strides = array<i32>} : memref<128x256xf32, #tpu.memory_space<vmem>>, vector<16xf32>,
        %mul3A_225 = vector.broadcast %squeeze3A : f32 to vector<16xf32>
        %mul3A_226 = arith.mulf %mul3A_225, %get3A_224 : vector<16xf32>
        %add3A_227 = arith.addf %mul3A_221, %mul3A_226 : vector<16xf32>
        %swap3A_228 = arith.index_cast %add3A_47 : i32 to index
        %swap3A_229 = arith.constant 192 : index
        %swap3A_230 = tpu.vector_load %arg10[%swap3A_228, %swap3A_229] {strides = array<i32>} : memref<128x256xf32, #tpu.memory_space<vmem>>, vector<16xf32>,
        tpu.vector_store %arg10[%swap3A_228, %swap3A_229], %add3A_227 {strides = array<i32>} : memref<128x256xf32, #tpu.memory_space<vmem>>, vector<16xf32>,
        %get3A_231 = arith.index_cast %add3A_47 : i32 to index
        %get3A_232 = arith.constant 208 : index
        %get3A_233 = tpu.vector_load %arg10[%get3A_231, %get3A_232] {strides = array<i32>} : memref<128x256xf32, #tpu.memory_space<vmem>>, vector<16xf32>,
        %mul3A_234 = vector.broadcast %sub3A_49 : f32 to vector<16xf32>
        %mul3A_235 = arith.mulf %mul3A_234, %get3A_233 : vector<16xf32>
        %get3A_236 = arith.index_cast %add3A_47 : i32 to index
        %get3A_237 = arith.constant 208 : index
        %get3A_238 = tpu.vector_load %arg11[%get3A_236, %get3A_237] {strides = array<i32>} : memref<128x256xf32, #tpu.memory_space<vmem>>, vector<16xf32>,
        %mul3A_239 = vector.broadcast %squeeze3A : f32 to vector<16xf32>
        %mul3A_240 = arith.mulf %mul3A_239, %get3A_238 : vector<16xf32>
        %add3A_241 = arith.addf %mul3A_235, %mul3A_240 : vector<16xf32>
        %swap3A_242 = arith.index_cast %add3A_47 : i32 to index
        %swap3A_243 = arith.constant 208 : index
        %swap3A_244 = tpu.vector_load %arg10[%swap3A_242, %swap3A_243] {strides = array<i32>} : memref<128x256xf32, #tpu.memory_space<vmem>>, vector<16xf32>,
        tpu.vector_store %arg10[%swap3A_242, %swap3A_243], %add3A_241 {strides = array<i32>} : memref<128x256xf32, #tpu.memory_space<vmem>>, vector<16xf32>,
        %get3A_245 = arith.index_cast %add3A_47 : i32 to index
        %get3A_246 = arith.constant 224 : index
        %get3A_247 = tpu.vector_load %arg10[%get3A_245, %get3A_246] {strides = array<i32>} : memref<128x256xf32, #tpu.memory_space<vmem>>, vector<16xf32>,
        %mul3A_248 = vector.broadcast %sub3A_49 : f32 to vector<16xf32>
        %mul3A_249 = arith.mulf %mul3A_248, %get3A_247 : vector<16xf32>
        %get3A_250 = arith.index_cast %add3A_47 : i32 to index
        %get3A_251 = arith.constant 224 : index
        %get3A_252 = tpu.vector_load %arg11[%get3A_250, %get3A_251] {strides = array<i32>} : memref<128x256xf32, #tpu.memory_space<vmem>>, vector<16xf32>,
        %mul3A_253 = vector.broadcast %squeeze3A : f32 to vector<16xf32>
        %mul3A_254 = arith.mulf %mul3A_253, %get3A_252 : vector<16xf32>
        %add3A_255 = arith.addf %mul3A_249, %mul3A_254 : vector<16xf32>
        %swap3A_256 = arith.index_cast %add3A_47 : i32 to index
        %swap3A_257 = arith.constant 224 : index
        %swap3A_258 = tpu.vector_load %arg10[%swap3A_256, %swap3A_257] {strides = array<i32>} : memref<128x256xf32, #tpu.memory_space<vmem>>, vector<16xf32>,
        tpu.vector_store %arg10[%swap3A_256, %swap3A_257], %add3A_255 {strides = array<i32>} : memref<128x256xf32, #tpu.memory_space<vmem>>, vector<16xf32>,
        %get3A_259 = arith.index_cast %add3A_47 : i32 to index
        %get3A_260 = arith.constant 240 : index
        %get3A_261 = tpu.vector_load %arg10[%get3A_259, %get3A_260] {strides = array<i32>} : memref<128x256xf32, #tpu.memory_space<vmem>>, vector<16xf32>,
        %mul3A_262 = vector.broadcast %sub3A_49 : f32 to vector<16xf32>
        %mul3A_263 = arith.mulf %mul3A_262, %get3A_261 : vector<16xf32>
        %get3A_264 = arith.index_cast %add3A_47 : i32 to index
        %get3A_265 = arith.constant 240 : index
        %get3A_266 = tpu.vector_load %arg11[%get3A_264, %get3A_265] {strides = array<i32>} : memref<128x256xf32, #tpu.memory_space<vmem>>, vector<16xf32>,
        %mul3A_267 = vector.broadcast %squeeze3A : f32 to vector<16xf32>
        %mul3A_268 = arith.mulf %mul3A_267, %get3A_266 : vector<16xf32>
        %add3A_269 = arith.addf %mul3A_263, %mul3A_268 : vector<16xf32>
        %swap3A_270 = arith.index_cast %add3A_47 : i32 to index
        %swap3A_271 = arith.constant 240 : index
        %swap3A_272 = tpu.vector_load %arg10[%swap3A_270, %swap3A_271] {strides = array<i32>} : memref<128x256xf32, #tpu.memory_space<vmem>>, vector<16xf32>,
        tpu.vector_store %arg10[%swap3A_270, %swap3A_271], %add3A_269 {strides = array<i32>} : memref<128x256xf32, #tpu.memory_space<vmem>>, vector<16xf32>,
      }
      %scan3A_40 = arith.constant 128 : i32
      %mul3A_41 = arith.constant 128 : i32
      %mul3A_42 = arith.muli %add3A_12, %mul3A_41 : i32
      "tpu.region"() ({
        %run_scoped3A = tpu.sem_alloc : memref<!tpu.dma_semaphore, #tpu.memory_space<semaphore_mem>>
        %dma_start3A_43 = arith.constant 0 : i32
        %dma_start3A_44 = tpu.memref_slice %arg6[%mul3A_42, %dma_start3A_43] : memref<16384x256xf32, #tpu.memory_space<hbm>> -> memref<128x256xf32, #tpu.memory_space<hbm>>
        %dma_start3A_45 = arith.constant 0 : i32
        %dma_start3A_46 = tpu.memref_slice %arg6[%mul3A_42, %dma_start3A_45] : memref<16384x256xf32, #tpu.memory_space<hbm>> -> memref<128x256xf32, #tpu.memory_space<hbm>>
        tpu.enqueue_dma source(%arg10 : memref<128x256xf32, #tpu.memory_space<vmem>>) target(%dma_start3A_46 : memref<128x256xf32, #tpu.memory_space<hbm>>) target_semaphore(%run_scoped3A : memref<!tpu.dma_semaphore, #tpu.memory_space<semaphore_mem>>)
        %dma_wait3A_47 = arith.constant 0 : i32
        %dma_wait3A_48 = tpu.memref_slice %arg6[%mul3A_42, %dma_wait3A_47] : memref<16384x256xf32, #tpu.memory_space<hbm>> -> memref<128x256xf32, #tpu.memory_space<hbm>>
        %dma_wait3A_49 = arith.constant 0 : i32
        %dma_wait3A_50 = tpu.memref_slice %arg6[%mul3A_42, %dma_wait3A_49] : memref<16384x256xf32, #tpu.memory_space<hbm>> -> memref<128x256xf32, #tpu.memory_space<hbm>>
        tpu.wait_dma2 semaphore(%run_scoped3A : memref<!tpu.dma_semaphore, #tpu.memory_space<semaphore_mem>>) src(%arg10 : memref<128x256xf32, #tpu.memory_space<vmem>>) dst(%dma_wait3A_50 : memref<128x256xf32, #tpu.memory_space<hbm>>)
        tpu.yield
      }) : () -> ()
    }
    %scan3A_4 = arith.constant 4 : i32
    return
  }
}

</mosaic_0001>

<sc_bundles>
// kernel: kernel.3.cloned.1.call-start
scs
__scs_entry_jumppad:
0x0: {  	(pc) =	sbr.rel $0x88, $3  }
0x1: {  	(tag) =	ssettag $0x0;
	lr =	simm.s32 $0x1  }
0x2: {  	[smem:$0x3F9B] =	sst lr;
	_ =	strace $0xD0000000  }
0x3: {  	_ = 	snop  }
0x4: {  	_ = 	snop  }
0x5: {  	_ = 	snop  }
0x6: {  	_ = 	snop  }
0x7: {  	_ = 	snop  }
__scs_overlays_trampoline_lowered:
0x8: {  	[smem:$0x3FAA] =	sst s0  }
0x9: {  	[smem:$0x3FAB] =	sst s1  }
0xa: {  	[smem:$0x3FAC] =	sst s2  }
0xb: {  	[smem:$0x3FAD] =	sst s3  }
0xc: {  	[smem:$0x3FAE] =	sst s4  }
0xd: {  	[smem:$0x3FAF] =	sst s5  }
0xe: {  	[smem:$0x3FB0] =	sst s6  }
0xf: {  	[smem:$0x3FB1] =	sst s7  }
0x10: {  	[smem:$0x3FB2] =	sst s8  }
0x11: {  	[smem:$0x3FB3] =	sst s9;
	s0 =	simm.s32 @!p0 $0x0  }
0x12: {  	s1 =	sld [smem:$0x3F99];
	s0 =	simm.s32 @p0 $0x1  }
0x13: {  	[smem:$0x3FB4] =	sst s0;
	s0 =	simm.s32 @!p1 $0x0  }
0x14: {  	s2 =	sld [smem:$0x3F98];
	s0 =	simm.s32 @p1 $0x1  }
0x15: {  	[smem:$0x3FB5] =	sst s0;
	s0 =	simm.s32 @!p2 $0x0  }
0x16: {  	s3 =	sld [smem:$0x3FDB];
	s0 =	simm.s32 @p2 $0x1  }
0x17: {  	s4 =	simm.s32 $0x1BF5;
	[smem:$0x3FB7] =	sst s0  }
0x18: {  	s0 =	sld [smem:$0x3F9A];
	_ =	swait.ge [sflag:s4], $0x0  }
0x19: {  	s7 =	sld [smem:$0x3F9B]  }
0x1a: {  	s8 =	sadd.s32 $0xFFFFE003, lr  }
0x1b: {  	s9 =	sadd.s32 $0xFFFFFEF7, lr;
	s5 =	simm.s32 $0xFFFFFFFF;
	p2 =	slt.u32 s8, $0xFFFFF086  }
0x1c: {  	p1 =	slt.u32 s9, $0xF7A;
	s5 =	simm.s32 @!p2 $0x0  }
0x1d: {  	s5 =	simm.s32 @p1 $0x1;
	p0 =	seq.s32 s7, s2  }
0x1e: {  	s7 =	smul.u32 @!p0 $0xF7A, s2;
	p2 =	seq.s32 @!p0 s5, $0x0  }
0x1f: {  	s9 =	smul.u32 $0xF7A, s1;
	s8 =	simm.s32 @!p0 $0x1BF5;
	p2 =	por !p2, p0  }
0x20: {  	[sflag:s8] =	ssyncset.s32 @!p0 $0xFFFFF086;
	s6 =	sadd.s32 @!p0 s3, s7;
	s7 =	simm.s32 @!p0 $0x108  }
0x21: {  	s3 =	sadd.s32 s3, s9;
	s6 =	sadd.s32 @!p0 $0x88, s6;
	s7 =	simm.s32 @p2 $0x1082  }
0x22: {  	[simem:s7], [sflag:s8] =	dma.local @!p0 [hbm:s6], $0xF7A  }
0x23: {  	s9 =	sor.u32 $0xD0000000, s2;
	s6 =	simm.s32 $0x108;
	_ =	swait.ge @!p0 [sflag:s8], $0x0  }
0x24: {  	s3 =	sadd.s32 $0x88, s3;
	s6 =	simm.s32 @!p1 $0x1082;
	[sflag:s4] =	ssyncset.s32 $0xFFFFF086  }
0x25: {  	[simem:s6], [sflag:s4] =	dma.local [hbm:s3], $0xF7A  }
0x26: {  	[smem:$0x3F9B] =	sst s1;
	(tag) =	ssettag s2;
	_ =	strace s9  }
0x27: {  	s1 =	sld [smem:$0x3FAB]  }
0x28: {  	s2 =	sld [smem:$0x3FAC]  }
0x29: {  	s4 =	sld [smem:$0x3FAE]  }
0x2a: {  	p0 =	seq.s32 s5, $0x0;
	s5 =	sld [smem:$0x3FAF]  }
0x2b: {  	s6 =	sld [smem:$0x3FB0]  }
0x2c: {  	s7 =	sld [smem:$0x3FB1]  }
0x2d: {  	s3 =	simm.s32 $0x108;
	s8 =	sld [smem:$0x3FB2]  }
0x2e: {  	s3 =	simm.s32 @!p0 $0x1082;
	s9 =	sld [smem:$0x3FB3]  }
0x2f: {  	lr =	sadd.s32 s0, s3;
	s0 =	sld [smem:$0x3FAA]  }
0x30: {  	s3 =	sld [smem:$0x3FAD]  }
0x31: {  	[smem:$0x3FB6] =	sst s10  }
0x32: {  	s10 =	sld [smem:$0x3FB4];
	_ =	sdelay $0x3  }
0x33: {  	p0 =	seq.s32 s10, $0x1;
	s10 =	sld [smem:$0x3FB6];
	_ =	sdelay $0x3  }
0x34: {  	[smem:$0x3FB6] =	sst s10  }
0x35: {  	s10 =	sld [smem:$0x3FB5];
	_ =	sdelay $0x3  }
0x36: {  	p1 =	seq.s32 s10, $0x1;
	s10 =	sld [smem:$0x3FB6];
	_ =	sdelay $0x3  }
0x37: {  	[smem:$0x3FB6] =	sst s10  }
0x38: {  	s10 =	sld [smem:$0x3FB7]  }
0x39: {  	_ = 	snop;
	(pc) =	sbr.ind lr, $3  }
0x3a: {  	_ = 	snop  }
0x3b: {  	_ = 	snop  }
0x3c: {  	p2 =	seq.s32 s10, $0x1;
	s10 =	sld [smem:$0x3FB6]  }
0x3d: {  	_ =	shalt  }
0x3e: {  	_ =	shalt  }
0x3f: {  	_ =	shalt  }
0x40: {  	_ =	shalt  }
0x41: {  	_ =	shalt  }
0x42: {  	_ =	shalt  }
0x43: {  	_ =	shalt  }
0x44: {  	_ =	shalt  }
0x45: {  	_ =	shalt  }
0x46: {  	_ =	shalt  }
0x47: {  	_ =	shalt  }
0x48: {  	_ =	shalt  }
0x49: {  	_ =	shalt  }
0x4a: {  	_ =	shalt  }
0x4b: {  	_ =	shalt  }
0x4c: {  	_ =	shalt  }
0x4d: {  	_ =	shalt  }
0x4e: {  	_ =	shalt  }
0x4f: {  	_ =	shalt  }
0x50: {  	_ =	shalt  }
0x51: {  	_ =	shalt  }
0x52: {  	_ =	shalt  }
0x53: {  	_ =	shalt  }
0x54: {  	_ =	shalt  }
0x55: {  	_ =	shalt  }
0x56: {  	_ =	shalt  }
0x57: {  	_ =	shalt  }
0x58: {  	_ =	shalt  }
0x59: {  	_ =	shalt  }
0x5a: {  	_ =	shalt  }
0x5b: {  	_ =	shalt  }
0x5c: {  	_ =	shalt  }
0x5d: {  	_ =	shalt  }
0x5e: {  	_ =	shalt  }
0x5f: {  	_ =	shalt  }
0x60: {  	_ =	shalt  }
0x61: {  	_ =	shalt  }
0x62: {  	_ =	shalt  }
0x63: {  	_ =	shalt  }
0x64: {  	_ =	shalt  }
0x65: {  	_ =	shalt  }
0x66: {  	_ =	shalt  }
0x67: {  	_ =	shalt  }
0x68: {  	_ =	shalt  }
0x69: {  	_ =	shalt  }
0x6a: {  	_ =	shalt  }
0x6b: {  	_ =	shalt  }
0x6c: {  	_ =	shalt  }
0x6d: {  	_ =	shalt  }
0x6e: {  	_ =	shalt  }
0x6f: {  	_ =	shalt  }
0x70: {  	_ =	shalt  }
0x71: {  	_ =	shalt  }
0x72: {  	_ =	shalt  }
0x73: {  	_ =	shalt  }
0x74: {  	_ =	shalt  }
0x75: {  	_ =	shalt  }
0x76: {  	_ =	shalt  }
0x77: {  	_ =	shalt  }
0x78: {  	_ =	shalt  }
0x79: {  	_ =	shalt  }
0x7a: {  	_ =	shalt  }
0x7b: {  	_ =	shalt  }
0x7c: {  	_ =	shalt  }
0x7d: {  	_ =	shalt  }
0x7e: {  	_ =	shalt  }
0x7f: {  	_ =	shalt  }
0x80: {  	_ =	shalt  }
0x81: {  	_ =	shalt  }
0x82: {  	_ =	shalt  }
0x83: {  	_ =	shalt  }
0x84: {  	_ =	shalt  }
0x85: {  	_ =	shalt  }
0x86: {  	_ =	shalt  }
0x87: {  	_ =	shalt  }
.Lfunc_end0:
.L_simem_size_0:
called_computation.1_lowered:
.L_overlay_start_0:
0x88: {  	s2 =	sld [smem:$0x3FD9]  }
0x89: {  	s3 =	sld [smem:$0x3FFE];
	_ =	sdelay $0x1  }
0x8a: {  	s1 =	srdreg.scid  }
0x8b: {  	s0 =	sand.u32 $0x1, s1  }
0x8c: {  	s17 =	sshll.u32 s0, $0xA;
	s2 =	sadd.s32 s3, s2  }
0x8d: {  	s2 =	sadd.s32 s2, s17  }
0x8e: {  	[smem:$0x3FC2] =	sst s2  }
0x8f: {  	_ = 	snop  }
0x90: {  	s2 =	sld [smem:$0x3FC8]  }
0x91: {  	s18 =	sld [smem:$0x3FC7]  }
0x92: {  	s4 =	sld [smem:$0x3FC6]  }
0x93: {  	s5 =	sld [smem:$0x3FD0];
	(tm) =	ssettm $0x1  }
0x94: {  	s6 =	sld [smem:$0x3FFB];
	_ =	sdelay $0x3  }
0x95: {  	_ =	strace s6  }
0x96: {  	s6 =	sld [smem:$0x3FFC];
	_ =	sdelay $0x3  }
0x97: {  	_ =	strace s6  }
0x98: {  	s6 =	sld [smem:$0x3FFD];
	_ =	sdelay $0x3  }
0x99: {  	_ =	strace s6  }
0x9a: {  	_ =	strace $0x8FFFFFFF  }
0x9b: {  	s19 =	sld [smem:$0x3FDB];
	_ =	sdelay $0x1  }
0x9c: {  	s7 =	simm.s32 $_scs_section_size  }
0x9d: {  	s8 =	simm.s32 $_size__tile_overlayer_lowered;
	s9 =	simm.s32 $_tile_overlayer_lowered  }
0x9e: {  	s22 =	simm.s32 $0x1BFF;
	s21 =	sshll.u32 s9, $0x1;
	s6 =	sadd.s32 s7, s19  }
0x9f: {  	s10 =	simm.s32 $0x0;
	s20 =	sshll.u32 s8, $0x1;
	s8 =	sadd.s32 s21, s6  }
0xa0: {  	[timem:s10], [sflag:s22] =	dma.local [hbm:s8], s20  }
0xa1: {  	_ =	swait.ge [sflag:s22], s20  }
0xa2: {  	s7 =	ssub.s32 $0x0, s20;
	[sflag:s22] =	ssyncset.done $0x0  }
0xa3: {  	[sflag:s22] =	ssyncadd.s32 s7;
	_ =	sdelay $0x1  }
0xa4: {  	s23 =	simm.s32 $0x1B8B  }
0xa5: {  	_ =	swait.ge [sflag:s23], $0x1  }
0xa6: {  	[sflag:s23] =	ssyncset.done $0x0  }
0xa7: {  	s25 =	simm.s32 $0x1B8E;
	s24 =	sld [smem:$0x3FFE];
	[sflag:s23] =	ssyncadd.s32 $0xFFFFFFFF  }
0xa8: {  	s26 =	simm.s32 $execute0_lowered;
	[smem:$0x3FD2] =	sst s25  }
0xa9: {  	s8 =	sshll.u32 s26, $0x1;
	_ =	strace $0x80000046;
	[dreg:$0x1] =	wrdreg $0xFFFFFFFF  }
0xaa: {  	s28 =	simm.s32 $_size_execute0_lowered;
	s6 =	sadd.s32 s6, s8;
	[dreg:$0x0] =	wrdreg $0x0  }
0xab: {  	s8 =	sshll.u32 s28, $0x1;
	[dreg:$0x2] =	wrdreg s6  }
0xac: {  	[dreg:$0x3] =	wrdreg s8  }
0xad: {  	[dreg:$0x4] =	wrdreg $0xC0  }
0xae: {  	_ =	task [dreg:s10], $0x5FFFF  }
0xaf: {  	[dreg:$0x1] =	wrdreg $0xFFFFFFFF  }
0xb0: {  	[dreg:$0x0] =	wrdreg $0x60  }
0xb1: {  	[dreg:$0x2] =	wrdreg s5  }
0xb2: {  	[dreg:$0x3] =	wrdreg s2  }
0xb3: {  	[dreg:$0x4] =	wrdreg s18  }
0xb4: {  	[dreg:$0x5] =	wrdreg s4  }
0xb5: {  	[dreg:$0x6] =	wrdreg s24  }
0xb6: {  	[dreg:$0x7] =	wrdreg $0xA  }
0xb7: {  	_ =	task.clear_ibuf [dreg:s10], $0x8FFFF;
	_ =	strace $0x90000046  }
0xb8: {  	s29 =	simm.s32 $0xA;
	_ =	strace $0x80000048  }
0xb9: {  	_ =	swait.ge [sflag:s29], $0x1  }
0xba: {  	[sflag:s29] =	ssyncadd.s32 $0xFFFFFFFF  }
0xbb: {  	_ =	strace $0x90000048  }
0xbc: {  	_ =	sfence  }
0xbd: {  	s30 =	sld [smem:$0x0];
	_ =	sdelay $0x2  }
0xbe: {  	s31 =	sshll.u32 s1, $0xD;
	s1 =	sshrl.u32 s1, $0x2  }
0xbf: {  	s3 =	sand.u32 $0x4000, s31;
	s1 =	sadd.s32 s1, s30  }
0xc0: {  	s0 =	sor.u32 s3, s0;
	s1 =	sshll.u32 s1, $0x11  }
0xc1: {  	s0 =	sor.u32 s1, s0  }
0xc2: {  	s0 =	sadd.s32 $0x8F2B, s0  }
0xc3: {  	[sflag:s0] =	ssyncadd.remote.s32 $0x1  }
0xc4: {  	_ =	sfence.sel $0xFFFF  }
0xc5: {  	[dreg:$0x0] =	wrdreg $0xFFFFFFFF;
	(pc) =	sbr.abs _section_cstart, $3  }
0xc6: {  	[dreg:$0x1] =	wrdreg $0xFFFFFFFF  }
0xc7: {  	_ =	task.clear_ibuf [dreg:s10], $0x2FFFF;
	_ =	strace $0x9FFFFFFF  }
0xc8: {  	(tm) =	ssettm $0x7FFFFFFF  }
0xc9: {  	_ =	shalt  }
tec
execute0_lowered:
.L_overlay_start_1:
0x0: {  	(tag) =	ssettag $0x1  }
0x1: {  	s1 =	rddreg [dreg:$0x0]  }
0x2: {  	s4 =	rddreg [dreg:$0x3]  }
0x3: {  	s5 =	rddreg [dreg:$0x4];
	s0 =	srdreg.scid  }
0x4: {  	s7 =	simm.s32 $0x0;
	s6 =	stileid.u32;
	s10 =	simm.s32 $0x2  }
0x5: {  	s11 =	simm.s32 $0x8280;
	s12 =	simm.s32 $0x280;
	s13 =	simm.s32 $0xA80  }
0x6: {  	s14 =	simm.s32 $0x1280;
	s15 =	simm.s32 $0x1A80;
	s16 =	simm.s32 $0x2280  }
0x7: {  	s17 =	simm.s32 $0x2A80;
	s18 =	simm.s32 $0x3280;
	s19 =	simm.s32 $0x3A80  }
0x8: {  	s20 =	simm.s32 $0x4280;
	s21 =	simm.s32 $0x4A80;
	s22 =	simm.s32 $0x5280  }
0x9: {  	s23 =	simm.s32 $0x5A80;
	s24 =	simm.s32 $0x6280;
	s0 =	sand.u32 $0x1, s0  }
0xa: {  	s25 =	simm.s32 $0x6A80;
	s26 =	simm.s32 $0x7280;
	s2 =	ssub.s32 $0x2, s0  }
0xb: {  	s28 =	simm.s32 $0x7A80;
	s29 =	simm.s32 $0x1;
	s3 =	sshrl.u32 s2, $0x1  }
0xc: {  	v2 =	vlaneseq.u32;
	[smem:$0x7FF] =	sst s7;
	s6 =	sshll.u32 s6, $0x2;
	s2 =	ssub.s32 s2, s3  }
0xd: {  	vm0 =	vmmov $0xffff;
	v1 =	vshrl.u32 v2, $0x3;
	s0 =	sshll.u32 s0, $0x6;
	_ =	strace $0x80000047;
	s31 =	smax.u32 s2, $0x1  }
0xe: {  	v0 =	vand.u32 $0x7, v2;
	v2 =	vor.u32 $0x8, v2;
	v1 =	vmul.u32 $0x8, v1;
	s8 =	sor.u32 s6, s0;
	s2 =	simm.s32 $0x0;
	[dreg:$0x6] =	wrdreg s31  }
.LBB2_1:
0xf: {  	[dreg:$0x7] =	wrdreg s2;
	s31 =	simm.s32 $0x0  }
.LBB2_2:
0x10: {  	s2 =	sadd.s32 s8, s31  }
0x11: {  	s0 =	sshll.u32 s2, $0x4  }
0x12: {  	s6 =	simm.s32 $0x0;
	s3 =	sadd.s32 s4, s0  }
0x13: {  	[tilespmem:s6], [sflag:$0x2] =	stream.linear.gather [hbm4b:s3+s6], $0x80, $0x38;
	[tilespmem:$0x10280] =	vst v63  }
0x14: {  	_ =	swait.ge [sflag:s10], $0x80  }
0x15: {  	[sflag:s10] =	ssyncset.done $0x0  }
0x16: {  	[sflag:s10] =	ssyncadd.s32 $0xFFFFFF80  }
0x17: {  	s9 =	rddreg [dreg:$0x2]  }
0x18: {  	s0 =	sadd.s32 s9, s0;
	s9 =	simm.s32 $0x180  }
0x19: {  	[tilespmem:s9], [sflag:$0x2] =	stream.linear.gather [hbm4b:s0+s6], $0x80, $0x38;
	[tilespmem:$0x10280] =	vst v63  }
0x1a: {  	_ =	swait.ge [sflag:s10], $0x80  }
0x1b: {  	[sflag:s10] =	ssyncset.done $0x0  }
0x1c: {  	[sflag:s10] =	ssyncadd.s32 $0xFFFFFF80  }
0x1d: {  	s0 =	sshll.u32 s2, $0xC;
	s3 =	rddreg [dreg:$0x1]  }
0x1e: {  	s3 =	sadd.s32 s3, s0  }
0x1f: {  	[tilespmem:s11], [sflag:$0x1] =	stream.linear.gather [hbm4b:s3+s6], $0x8000, $0x38;
	[tilespmem:$0x10280] =	vst v63  }
0x20: {  	v3 =	vld [tilespmem:$0x0];
	_ =	sdelay $0x2  }
0x21: {  	v4 =	vld [tilespmem:$0x10]  }
0x22: {  	s2 =	sshll.u32 s2, $0xA;
	v5 =	vld [tilespmem:$0x20]  }
0x23: {  	v7 =	vld [tilespmem:$0x30];
	v6 =	vadd.s32 s2, v3  }
0x24: {  	v8 =	vld [tilespmem:$0x40];
	v9 =	vshll.u32 v6, $0x1  }
0x25: {  	v10 =	vld [tilespmem:$0x50];
	v3 =	vand.u32 $0x7, v3;
	v9 =	vand.u32 $0xFFFFFFF0, v9  }
0x26: {  	v62 =	vld [tilespmem:$0x60];
	v4 =	vadd.s32 s2, v4;
	[tilespmem:$0x100] =	vst v6;
	v3 =	vor.u32 v3, v9  }
0x27: {  	[tilespmem:$0x110] =	vst v4;
	v4 =	vadd.s32 s2, v5;
	v5 =	vld [tilespmem:$0x70];
	v9 =	vperm.xlane v3, v0  }
0x28: {  	[tilespmem:$0x120] =	vst v4;
	v4 =	vadd.s32 s2, v7  }
0x29: {  	[tilespmem:$0x130] =	vst v4;
	v4 =	vadd.s32 s2, v8;
	v3 =	vperm.xlane v3, v2;
	v63 =	vadd.s32 v1, v9  }
0x2a: {  	[tilespmem:$0x140] =	vst v4;
	v4 =	vadd.s32 s2, v10  }
0x2b: {  	[tilespmem:$0x150] =	vst v4;
	v4 =	vadd.s32 s2, v62;
	v3 =	vadd.s32 v1, v3  }
0x2c: {  	[tilespmem:$0x160] =	vst v4;
	v4 =	vadd.s32 s2, v5  }
0x2d: {  	[tilespmem:$0x170] =	vst v4  }
0x2e: {  	[tilespmem:s12], [sflag:$0x1] =	stream.indirect_vreg.gather [hbm4b:s1+s6], $0x80, v63, vm0, $0xb8;
	[tilespmem:$0x10280] =	vst v63  }
0x2f: {  	_ = 	snop  }
0x30: {  	[tilespmem:s13], [sflag:$0x1] =	stream.indirect_vreg.gather [hbm4b:s1+s6], $0x80, v3, vm0, $0xb8;
	[tilespmem:$0x10280] =	vst v63  }
0x31: {  	v3 =	vld [tilespmem:$0x110];
	_ =	sdelay $0x4  }
0x32: {  	v4 =	vshll.u32 v3, $0x1  }
0x33: {  	v3 =	vand.u32 $0x7, v3;
	v4 =	vand.u32 $0xFFFFFFF0, v4  }
0x34: {  	v3 =	vor.u32 v3, v4  }
0x35: {  	v4 =	vperm.xlane v3, v0;
	_ =	sdelay $0x1  }
0x36: {  	v3 =	vperm.xlane v3, v2;
	v4 =	vadd.s32 v1, v4;
	_ =	sdelay $0x1  }
0x37: {  	v3 =	vadd.s32 v1, v3;
	_ =	sdelay $0x2  }
0x38: {  	[tilespmem:s14], [sflag:$0x1] =	stream.indirect_vreg.gather [hbm4b:s1+s6], $0x80, v4, vm0, $0xb8;
	[tilespmem:$0x10280] =	vst v63  }
0x39: {  	_ = 	snop  }
0x3a: {  	[tilespmem:s15], [sflag:$0x1] =	stream.indirect_vreg.gather [hbm4b:s1+s6], $0x80, v3, vm0, $0xb8;
	[tilespmem:$0x10280] =	vst v63  }
0x3b: {  	v3 =	vld [tilespmem:$0x120];
	_ =	sdelay $0x4  }
0x3c: {  	v4 =	vshll.u32 v3, $0x1  }
0x3d: {  	v3 =	vand.u32 $0x7, v3;
	v4 =	vand.u32 $0xFFFFFFF0, v4  }
0x3e: {  	v3 =	vor.u32 v3, v4  }
0x3f: {  	v4 =	vperm.xlane v3, v0;
	_ =	sdelay $0x1  }
0x40: {  	v3 =	vperm.xlane v3, v2;
	v4 =	vadd.s32 v1, v4;
	_ =	sdelay $0x1  }
0x41: {  	v3 =	vadd.s32 v1, v3;
	_ =	sdelay $0x2  }
0x42: {  	[tilespmem:s16], [sflag:$0x1] =	stream.indirect_vreg.gather [hbm4b:s1+s6], $0x80, v4, vm0, $0xb8;
	[tilespmem:$0x10280] =	vst v63  }
0x43: {  	_ = 	snop  }
0x44: {  	[tilespmem:s17], [sflag:$0x1] =	stream.indirect_vreg.gather [hbm4b:s1+s6], $0x80, v3, vm0, $0xb8;
	[tilespmem:$0x10280] =	vst v63  }
0x45: {  	v3 =	vld [tilespmem:$0x130];
	_ =	sdelay $0x4  }
0x46: {  	v4 =	vshll.u32 v3, $0x1  }
0x47: {  	v3 =	vand.u32 $0x7, v3;
	v4 =	vand.u32 $0xFFFFFFF0, v4  }
0x48: {  	v3 =	vor.u32 v3, v4  }
0x49: {  	v4 =	vperm.xlane v3, v0;
	_ =	sdelay $0x1  }
0x4a: {  	v3 =	vperm.xlane v3, v2;
	v4 =	vadd.s32 v1, v4;
	_ =	sdelay $0x1  }
0x4b: {  	v3 =	vadd.s32 v1, v3;
	_ =	sdelay $0x2  }
0x4c: {  	[tilespmem:s18], [sflag:$0x1] =	stream.indirect_vreg.gather [hbm4b:s1+s6], $0x80, v4, vm0, $0xb8;
	[tilespmem:$0x10280] =	vst v63  }
0x4d: {  	_ = 	snop  }
0x4e: {  	[tilespmem:s19], [sflag:$0x1] =	stream.indirect_vreg.gather [hbm4b:s1+s6], $0x80, v3, vm0, $0xb8;
	[tilespmem:$0x10280] =	vst v63  }
0x4f: {  	v3 =	vld [tilespmem:$0x140];
	_ =	sdelay $0x4  }
0x50: {  	v4 =	vshll.u32 v3, $0x1  }
0x51: {  	v3 =	vand.u32 $0x7, v3;
	v4 =	vand.u32 $0xFFFFFFF0, v4  }
0x52: {  	v3 =	vor.u32 v3, v4  }
0x53: {  	v4 =	vperm.xlane v3, v0;
	_ =	sdelay $0x1  }
0x54: {  	v3 =	vperm.xlane v3, v2;
	v4 =	vadd.s32 v1, v4;
	_ =	sdelay $0x1  }
0x55: {  	v3 =	vadd.s32 v1, v3;
	_ =	sdelay $0x2  }
0x56: {  	[tilespmem:s20], [sflag:$0x1] =	stream.indirect_vreg.gather [hbm4b:s1+s6], $0x80, v4, vm0, $0xb8;
	[tilespmem:$0x10280] =	vst v63  }
0x57: {  	_ = 	snop  }
0x58: {  	[tilespmem:s21], [sflag:$0x1] =	stream.indirect_vreg.gather [hbm4b:s1+s6], $0x80, v3, vm0, $0xb8;
	[tilespmem:$0x10280] =	vst v63  }
0x59: {  	v3 =	vld [tilespmem:$0x150];
	_ =	sdelay $0x4  }
0x5a: {  	v4 =	vshll.u32 v3, $0x1  }
0x5b: {  	v3 =	vand.u32 $0x7, v3;
	v4 =	vand.u32 $0xFFFFFFF0, v4  }
0x5c: {  	v3 =	vor.u32 v3, v4  }
0x5d: {  	v4 =	vperm.xlane v3, v0;
	_ =	sdelay $0x1  }
0x5e: {  	v3 =	vperm.xlane v3, v2;
	v4 =	vadd.s32 v1, v4;
	_ =	sdelay $0x1  }
0x5f: {  	v3 =	vadd.s32 v1, v3;
	_ =	sdelay $0x2  }
0x60: {  	[tilespmem:s22], [sflag:$0x1] =	stream.indirect_vreg.gather [hbm4b:s1+s6], $0x80, v4, vm0, $0xb8;
	[tilespmem:$0x10280] =	vst v63  }
0x61: {  	_ = 	snop  }
0x62: {  	[tilespmem:s23], [sflag:$0x1] =	stream.indirect_vreg.gather [hbm4b:s1+s6], $0x80, v3, vm0, $0xb8;
	[tilespmem:$0x10280] =	vst v63  }
0x63: {  	v3 =	vld [tilespmem:$0x160];
	_ =	sdelay $0x4  }
0x64: {  	v4 =	vshll.u32 v3, $0x1  }
0x65: {  	v3 =	vand.u32 $0x7, v3;
	v4 =	vand.u32 $0xFFFFFFF0, v4  }
0x66: {  	v3 =	vor.u32 v3, v4  }
0x67: {  	v4 =	vperm.xlane v3, v0;
	_ =	sdelay $0x1  }
0x68: {  	v3 =	vperm.xlane v3, v2;
	v4 =	vadd.s32 v1, v4;
	_ =	sdelay $0x1  }
0x69: {  	v3 =	vadd.s32 v1, v3;
	_ =	sdelay $0x2  }
0x6a: {  	[tilespmem:s24], [sflag:$0x1] =	stream.indirect_vreg.gather [hbm4b:s1+s6], $0x80, v4, vm0, $0xb8;
	[tilespmem:$0x10280] =	vst v63  }
0x6b: {  	_ = 	snop  }
0x6c: {  	[tilespmem:s25], [sflag:$0x1] =	stream.indirect_vreg.gather [hbm4b:s1+s6], $0x80, v3, vm0, $0xb8;
	[tilespmem:$0x10280] =	vst v63  }
0x6d: {  	v3 =	vld [tilespmem:$0x170];
	_ =	sdelay $0x4  }
0x6e: {  	v4 =	vshll.u32 v3, $0x1  }
0x6f: {  	v3 =	vand.u32 $0x7, v3;
	v4 =	vand.u32 $0xFFFFFFF0, v4  }
0x70: {  	v3 =	vor.u32 v3, v4  }
0x71: {  	v4 =	vperm.xlane v3, v0;
	_ =	sdelay $0x1  }
0x72: {  	v3 =	vperm.xlane v3, v2;
	v4 =	vadd.s32 v1, v4;
	_ =	sdelay $0x1  }
0x73: {  	v3 =	vadd.s32 v1, v3;
	_ =	sdelay $0x2  }
0x74: {  	[tilespmem:s26], [sflag:$0x1] =	stream.indirect_vreg.gather [hbm4b:s1+s6], $0x80, v4, vm0, $0xb8;
	[tilespmem:$0x10280] =	vst v63  }
0x75: {  	_ = 	snop  }
0x76: {  	[tilespmem:s28], [sflag:$0x1] =	stream.indirect_vreg.gather [hbm4b:s1+s6], $0x80, v3, vm0, $0xb8;
	[tilespmem:$0x10280] =	vst v63  }
0x77: {  	_ =	swait.ge [sflag:s29], $0x8000  }
0x78: {  	[sflag:s29] =	ssyncset.done $0x0  }
0x79: {  	[sflag:s29] =	ssyncadd.s32 $0xFFFF8000  }
0x7a: {  	_ =	swait.ge [sflag:s29], $0x8000  }
0x7b: {  	[sflag:s29] =	ssyncset.done $0x0  }
0x7c: {  	[sflag:s29] =	ssyncadd.s32 $0xFFFF8000  }
0x7d: {  	s30 =	simm.s32 $0x100;
	s3 =	sand.u32 $0x380, s6;
	s2 =	sand.u32 $0x7800, s6;
	v3 =	vld [tilespmem:s9+$0x0]  }
.LBB2_3:
0x7e: {  	p0 =	sne.s32 s30, $0x7F00;
	s2 =	sor.u32 s3, s2  }
0x7f: {  	v4 =	vld [tilespmem:s2+$0x8280]  }
0x80: {  	v5 =	vld [tilespmem:s2+$0x8290]  }
0x81: {  	v6 =	vld [tilespmem:s2+$0x82A0]  }
0x82: {  	v7 =	vld [tilespmem:s2+$0x82B0];
	(v2sf) =	vpush v3, $0x0  }
0x83: {  	v8 =	vld [tilespmem:s2+$0x82C0]  }
0x84: {  	v9 =	vld [tilespmem:s2+$0x82D0]  }
0x85: {  	v10 =	vld [tilespmem:s2+$0x82E0]  }
0x86: {  	v11 =	vld [tilespmem:s2+$0x82F0]  }
0x87: {  	v12 =	vld [tilespmem:s2+$0x8680]  }
0x88: {  	v13 =	vld [tilespmem:s2+$0x8690]  }
0x89: {  	v14 =	vld [tilespmem:s2+$0x86A0]  }
0x8a: {  	v15 =	vld [tilespmem:s2+$0x86B0]  }
0x8b: {  	v16 =	vld [tilespmem:s2+$0x86C0]  }
0x8c: {  	v17 =	vld [tilespmem:s2+$0x86D0]  }
0x8d: {  	v18 =	vld [tilespmem:s2+$0x86E0]  }
0x8e: {  	v19 =	vld [tilespmem:s2+$0x86F0]  }
0x8f: {  	v20 =	vld [tilespmem:s2+$0x280]  }
0x90: {  	v21 =	vld [tilespmem:s2+$0x290]  }
0x91: {  	v22 =	vld [tilespmem:s2+$0x2A0];
	s3 =	spop (v2sf)  }
0x92: {  	v3 =	vbroadcast v3, $0x0;
	s3 =	ssub.f32 $1.000000000e+00, s3;
	v23 =	vld [tilespmem:s2+$0x2B0]  }
0x93: {  	v24 =	vld [tilespmem:s2+$0x2C0]  }
0x94: {  	v4 =	vmul.f32 v4, v3;
	v20 =	vmul.f32 s3, v20;
	v25 =	vld [tilespmem:s2+$0x2D0]  }
0x95: {  	v5 =	vmul.f32 v5, v3;
	v21 =	vmul.f32 s3, v21;
	v26 =	vld [tilespmem:s2+$0x2E0]  }
0x96: {  	v6 =	vmul.f32 v6, v3;
	v4 =	vadd.f32 v20, v4;
	v20 =	vmul.f32 s3, v22;
	v22 =	vld [tilespmem:s2+$0x2F0]  }
0x97: {  	v7 =	vmul.f32 v7, v3;
	v5 =	vadd.f32 v5, v21;
	v21 =	vmul.f32 s3, v23;
	v23 =	vld [tilespmem:s2+$0x680]  }
0x98: {  	v8 =	vmul.f32 v8, v3;
	[tilespmem:s2+$0x280] =	vst v4;
	v4 =	vadd.f32 v6, v20;
	v6 =	vmul.f32 s3, v24;
	v20 =	vld [tilespmem:s2+$0x690]  }
0x99: {  	v9 =	vmul.f32 v9, v3;
	[tilespmem:s2+$0x290] =	vst v5;
	v5 =	vadd.f32 v7, v21;
	v7 =	vmul.f32 s3, v25;
	v21 =	vld [tilespmem:s2+$0x6A0]  }
0x9a: {  	[tilespmem:s2+$0x2A0] =	vst v4;
	v4 =	vadd.f32 v8, v6;
	v6 =	vmul.f32 s3, v26;
	v8 =	vmul.f32 v10, v3;
	v10 =	vld [tilespmem:s2+$0x6B0]  }
0x9b: {  	[tilespmem:s2+$0x2B0] =	vst v5;
	v5 =	vadd.f32 v9, v7;
	v7 =	vmul.f32 s3, v22;
	v9 =	vmul.f32 v11, v3;
	v11 =	vld [tilespmem:s2+$0x6C0]  }
0x9c: {  	[tilespmem:s2+$0x2C0] =	vst v4;
	v4 =	vadd.f32 v8, v6;
	v6 =	vmul.f32 s3, v23;
	v8 =	vmul.f32 v12, v3;
	v12 =	vld [tilespmem:s2+$0x6D0]  }
0x9d: {  	[tilespmem:s2+$0x2D0] =	vst v5;
	v5 =	vadd.f32 v9, v7;
	v7 =	vmul.f32 s3, v20;
	v9 =	vmul.f32 v13, v3;
	v13 =	vld [tilespmem:s2+$0x6E0]  }
0x9e: {  	[tilespmem:s2+$0x2E0] =	vst v4;
	v4 =	vadd.f32 v8, v6;
	v6 =	vmul.f32 s3, v21;
	v8 =	vmul.f32 v14, v3;
	v14 =	vld [tilespmem:s2+$0x6F0]  }
0x9f: {  	[tilespmem:s2+$0x2F0] =	vst v5;
	v5 =	vadd.f32 v9, v7;
	v7 =	vmul.f32 s3, v10;
	v9 =	vmul.f32 v15, v3  }
0xa0: {  	[tilespmem:s2+$0x680] =	vst v4;
	v4 =	vadd.f32 v8, v6;
	v6 =	vmul.f32 s3, v11;
	v8 =	vmul.f32 v16, v3  }
0xa1: {  	[tilespmem:s2+$0x690] =	vst v5;
	v5 =	vadd.f32 v9, v7;
	v7 =	vmul.f32 s3, v12;
	v9 =	vmul.f32 v17, v3  }
0xa2: {  	[tilespmem:s2+$0x6A0] =	vst v4;
	v4 =	vadd.f32 v8, v6;
	v6 =	vmul.f32 s3, v13;
	v8 =	vmul.f32 v18, v3  }
0xa3: {  	v3 =	vmul.f32 v19, v3;
	[tilespmem:s2+$0x6B0] =	vst v5;
	v5 =	vadd.f32 v9, v7;
	v7 =	vmul.f32 s3, v14  }
.Ltmp0:
0xa4: {  	[tilespmem:s2+$0x6C0] =	vst v4;
	v4 =	vadd.f32 v8, v6;
	(pc) =	sbr.rel @p0 .LBB2_3-.Ltmp0, $4  }
0xa5: {  	[tilespmem:s2+$0x6D0] =	vst v5;
	v3 =	vadd.f32 v3, v7  }
0xa6: {  	[tilespmem:s2+$0x6E0] =	vst v4  }
0xa7: {  	s6 =	sadd.s32 $0x80, s6;
	s9 =	sadd.s32 $0x1, s9;
	[tilespmem:s2+$0x6F0] =	vst v3  }
0xa8: {  	s3 =	sand.u32 $0x380, s6;
	s2 =	sand.u32 $0x7800, s30;
	s30 =	sadd.s32 $0x100, s30;
	v3 =	vld [tilespmem:s9+$0x0]  }
0xa9: {  	s2 =	sor.u32 s3, s2  }
0xaa: {  	v4 =	vld [tilespmem:s2+$0x8280]  }
0xab: {  	v5 =	vld [tilespmem:s2+$0x8290]  }
0xac: {  	v6 =	vld [tilespmem:s2+$0x82A0]  }
0xad: {  	v7 =	vld [tilespmem:s2+$0x82B0];
	(v2sf) =	vpush v3, $0x0  }
0xae: {  	v8 =	vld [tilespmem:s2+$0x82C0]  }
0xaf: {  	v9 =	vld [tilespmem:s2+$0x82D0]  }
0xb0: {  	v10 =	vld [tilespmem:s2+$0x82E0]  }
0xb1: {  	v11 =	vld [tilespmem:s2+$0x82F0]  }
0xb2: {  	v12 =	vld [tilespmem:s2+$0x8680]  }
0xb3: {  	v13 =	vld [tilespmem:s2+$0x8690]  }
0xb4: {  	v14 =	vld [tilespmem:s2+$0x86A0]  }
0xb5: {  	v15 =	vld [tilespmem:s2+$0x86B0]  }
0xb6: {  	v16 =	vld [tilespmem:s2+$0x86C0]  }
0xb7: {  	v17 =	vld [tilespmem:s2+$0x86D0]  }
0xb8: {  	v18 =	vld [tilespmem:s2+$0x86E0]  }
0xb9: {  	v19 =	vld [tilespmem:s2+$0x86F0]  }
0xba: {  	v20 =	vld [tilespmem:s2+$0x280]  }
0xbb: {  	v21 =	vld [tilespmem:s2+$0x290]  }
0xbc: {  	v22 =	vld [tilespmem:s2+$0x2A0];
	s30 =	spop (v2sf)  }
0xbd: {  	v23 =	vld [tilespmem:s2+$0x2B0];
	v3 =	vbroadcast v3, $0x0;
	s3 =	ssub.f32 $1.000000000e+00, s30  }
0xbe: {  	v24 =	vld [tilespmem:s2+$0x2C0]  }
0xbf: {  	v25 =	vld [tilespmem:s2+$0x2D0];
	v4 =	vmul.f32 v4, v3;
	v20 =	vmul.f32 s3, v20  }
0xc0: {  	v26 =	vld [tilespmem:s2+$0x2E0];
	v5 =	vmul.f32 v5, v3;
	v21 =	vmul.f32 s3, v21  }
0xc1: {  	v58 =	vld [tilespmem:s2+$0x2F0];
	v6 =	vmul.f32 v6, v3;
	v57 =	vmul.f32 s3, v22;
	v4 =	vadd.f32 v20, v4  }
0xc2: {  	v60 =	vld [tilespmem:s2+$0x680];
	v7 =	vmul.f32 v7, v3;
	v59 =	vmul.f32 s3, v23;
	v5 =	vadd.f32 v5, v21  }
0xc3: {  	v63 =	vld [tilespmem:s2+$0x690];
	v8 =	vmul.f32 v8, v3;
	v62 =	vmul.f32 s3, v24;
	v61 =	vadd.f32 v6, v57;
	[tilespmem:s2+$0x280] =	vst v4  }
0xc4: {  	v28 =	vld [tilespmem:s2+$0x6A0];
	v9 =	vmul.f32 v9, v3;
	v27 =	vmul.f32 s3, v25;
	v24 =	vadd.f32 v7, v59;
	[tilespmem:s2+$0x290] =	vst v5  }
0xc5: {  	v32 =	vld [tilespmem:s2+$0x6B0];
	v31 =	vmul.f32 v10, v3;
	v30 =	vmul.f32 s3, v26;
	v29 =	vadd.f32 v8, v62;
	[tilespmem:s2+$0x2A0] =	vst v61  }
0xc6: {  	v36 =	vld [tilespmem:s2+$0x6C0];
	v35 =	vmul.f32 v11, v3;
	v34 =	vmul.f32 s3, v58;
	v33 =	vadd.f32 v9, v27;
	[tilespmem:s2+$0x2B0] =	vst v24  }
0xc7: {  	v40 =	vld [tilespmem:s2+$0x6D0];
	v39 =	vmul.f32 v12, v3;
	v38 =	vmul.f32 s3, v60;
	v37 =	vadd.f32 v31, v30;
	[tilespmem:s2+$0x2C0] =	vst v29  }
0xc8: {  	v44 =	vld [tilespmem:s2+$0x6E0];
	v43 =	vmul.f32 v13, v3;
	v42 =	vmul.f32 s3, v63;
	v41 =	vadd.f32 v35, v34;
	[tilespmem:s2+$0x2D0] =	vst v33  }
0xc9: {  	v48 =	vld [tilespmem:s2+$0x6F0];
	v47 =	vmul.f32 v14, v3;
	v46 =	vmul.f32 s3, v28;
	v45 =	vadd.f32 v39, v38;
	[tilespmem:s2+$0x2E0] =	vst v37  }
0xca: {  	v51 =	vmul.f32 v15, v3;
	v50 =	vmul.f32 s3, v32;
	v49 =	vadd.f32 v43, v42;
	[tilespmem:s2+$0x2F0] =	vst v41  }
0xcb: {  	v54 =	vmul.f32 v16, v3;
	v53 =	vmul.f32 s3, v36;
	v52 =	vadd.f32 v47, v46;
	[tilespmem:s2+$0x680] =	vst v45  }
0xcc: {  	v56 =	vmul.f32 s3, v40;
	v55 =	vadd.f32 v51, v50;
	v57 =	vmul.f32 v17, v3;
	[tilespmem:s2+$0x690] =	vst v49  }
0xcd: {  	v60 =	vmul.f32 v18, v3;
	v58 =	vadd.f32 v54, v53;
	v59 =	vmul.f32 s3, v44;
	[tilespmem:s2+$0x6A0] =	vst v52  }
0xce: {  	v62 =	vmul.f32 s3, v48;
	v3 =	vmul.f32 v19, v3;
	[tilespmem:s2+$0x6B0] =	vst v55;
	v61 =	vadd.f32 v57, v56  }
0xcf: {  	[tilespmem:s2+$0x6C0] =	vst v58;
	v63 =	vadd.f32 v60, v59  }
0xd0: {  	s31 =	sadd.s32 $0x1, s31;
	v3 =	vadd.f32 v3, v62;
	[tilespmem:s2+$0x6D0] =	vst v61  }
0xd1: {  	p0 =	sne.s32 s31, $0x4;
	[tilespmem:s2+$0x6E0] =	vst v63  }
.Ltmp1:
0xd2: {  	s0 =	sadd.s32 s5, s0;
	[tilespmem:s2+$0x6F0] =	vst v3;
	(pc) =	sbr.rel @p0 .LBB2_2-.Ltmp1, $4  }
0xd3: {  	[hbm4b:s0+s7] =	stream.linear.scatter [tilespmem:s12], [sflag:$0x2], $0x8000, $0x38;
	[tilespmem:$0x10280] =	vst v63  }
0xd4: {  	_ =	swait.ge [sflag:s10], $0x8000  }
0xd5: {  	[sflag:s10] =	ssyncset.done $0x0  }
0xd6: {  	[sflag:s10] =	ssyncadd.s32 $0xFFFF8000  }
0xd7: {  	s2 =	rddreg [dreg:$0x7]  }
0xd8: {  	s0 =	rddreg [dreg:$0x6];
	s2 =	sadd.s32 $0x1, s2  }
0xd9: {  	p0 =	sne.s32 s2, s0  }
.Ltmp2:
0xda: {  	_ = 	snop;
	(pc) =	sbr.rel @p0 .LBB2_1-.Ltmp2, $1  }
0xdb: {  	_ =	sdelay $0x3  }
0xdc: {  	_ =	sfence.sel $0x180000  }
0xdd: {  	[bflag:$0x0] =	sbarrier.arrive $0xFFFF  }
0xde: {  	_ =	strace $0x90000047  }
0xdf: {  	s0 =	stileid.u32;
	[bflag:$0x2] =	sbarrier.arrive $0xFFFF  }
0xe0: {  	p0 =	sne.s32 s0, $0x0;
	s0 =	rddreg [dreg:$0x5]  }
0xe1: {  	s0 =	sadd.s32 @!p0 $0x100000, s0  }
0xe2: {  	[sflag:s0] =	ssyncadd.tile.s32 @!p0 $0x1;
	_ =	shalt  }
.Lfunc_end2:
_tile_overlayer_lowered:
.L_overlay_start_2:
0xe3: {  	(tag) =	ssettag $0x2  }
0xe4: {  	s0 =	rddreg [dreg:$0x0];
	s2 =	stileid.u32  }
0xe5: {  	s1 =	rddreg [dreg:$0x1];
	p0 =	sne.s32 s2, $0x0  }
0xe6: {  	s3 =	rddreg [dreg:$0x2];
	[bflag:$0x3] =	sbarrier.arrive $0xFFFF;
	s2 =	simm.s32 @!p0 $0x1C02  }
0xe7: {  	[timem:s3], [sflag:s2] =	dma.local @!p0 [hbm:s0], s1  }
0xe8: {  	s0 =	simm.s32 @!p0 $0x2  }
0xe9: {  	_ =	swait.ge @!p0 [sflag:s0], s1  }
0xea: {  	s1 =	ssub.s32 @!p0 $0x0, s1;
	[sflag:s0] =	ssyncset.done @!p0 $0x0  }
0xeb: {  	[sflag:s0] =	ssyncadd.s32 @!p0 s1  }
0xec: {  	[bflag:$0x3] =	sbarrier.arrive $0xFFFF  }
0xed: {  	_ =	shalt  }

// kernel: sparse-core-data-format-call.cloned.1.call-start
scs
called_computation_lowered:
.L_overlay_start_0:
0x0: {  	s2 =	sld [smem:$0x3FD9]  }
0x1: {  	s3 =	sld [smem:$0x3FFE];
	_ =	sdelay $0x1  }
0x2: {  	s1 =	srdreg.scid  }
0x3: {  	s0 =	sand.u32 $0x1, s1  }
0x4: {  	s18 =	sshll.u32 s0, $0xA;
	s2 =	sadd.s32 s3, s2  }
0x5: {  	s2 =	sadd.s32 s2, s18  }
0x6: {  	[smem:$0x3FC2] =	sst s2  }
0x7: {  	_ = 	snop  }
0x8: {  	s19 =	sld [smem:$0x3FD0];
	(tm) =	ssettm $0x1  }
0x9: {  	s20 =	sld [smem:$0x3FFB];
	_ =	sdelay $0x3  }
0xa: {  	_ =	strace s20  }
0xb: {  	s2 =	sld [smem:$0x3FFC];
	_ =	sdelay $0x3  }
0xc: {  	_ =	strace s2  }
0xd: {  	s2 =	sld [smem:$0x3FFD];
	_ =	sdelay $0x3  }
0xe: {  	_ =	strace s2  }
0xf: {  	_ =	strace $0x8FFFFFFF  }
0x10: {  	s21 =	sld [smem:$0x3FDB];
	_ =	sdelay $0x1  }
0x11: {  	s4 =	simm.s32 $_scs_section_size  }
0x12: {  	s5 =	simm.s32 $_size__tile_overlayer_lowered;
	s6 =	simm.s32 $_tile_overlayer_lowered  }
0x13: {  	s7 =	simm.s32 $0x1BFF;
	s22 =	sshll.u32 s6, $0x1;
	s4 =	sadd.s32 s4, s21  }
0x14: {  	s23 =	simm.s32 $0x0;
	s5 =	sshll.u32 s5, $0x1;
	s6 =	sadd.s32 s22, s4  }
0x15: {  	[timem:s23], [sflag:s7] =	dma.local [hbm:s6], s5  }
0x16: {  	_ =	swait.ge [sflag:s7], s5  }
0x17: {  	s5 =	ssub.s32 $0x0, s5;
	[sflag:s7] =	ssyncset.done $0x0  }
0x18: {  	[sflag:s7] =	ssyncadd.s32 s5;
	_ =	sdelay $0x1  }
0x19: {  	s24 =	simm.s32 $0x1B8B  }
0x1a: {  	_ =	swait.ge [sflag:s24], $0x1  }
0x1b: {  	[sflag:s24] =	ssyncset.done $0x0  }
0x1c: {  	[sflag:s24] =	ssyncadd.s32 $0xFFFFFFFF  }
0x1d: {  	s5 =	sld [smem:$0x0]  }
0x1e: {  	s6 =	sand.u32 $0xFFFFFFFE, s1  }
0x1f: {  	p0 =	sne.s32 s1, s6  }
0x20: {  	s6 =	sshll.u32 @p0 s6, $0xE  }
0x21: {  	s6 =	sadd.s32 @p0 $0x11B8D, s6;
	s7 =	sshll.u32 @p0 s5, $0x11  }
0x22: {  	s6 =	sor.u32 @p0 s7, s6  }
0x23: {  	[sflag:s6] =	ssyncadd.remote.s32 @p0 $0x1;
	_ =	sdelay $0x1  }
0x24: {  	s6 =	simm.s32 @p0 $0x1B8D  }
0x25: {  	_ =	swait.eq @p0 [sflag:s6], $0x1  }
0x26: {  	[sflag:s6] =	ssyncadd.s32 @p0 $0xFFFFFFFF  }
0x27: {  	s7 =	sshll.u32 @!p0 s1, $0xE  }
0x28: {  	s7 =	sor.u32 @!p0 $0x4000, s7;
	s6 =	simm.s32 @!p0 $0x1B8D  }
0x29: {  	s5 =	sshll.u32 @!p0 s5, $0x11;
	s7 =	sadd.s32 @!p0 $0x11B8D, s7;
	_ =	swait.eq @!p0 [sflag:s6], $0x1  }
0x2a: {  	s5 =	sor.u32 @!p0 s5, s7;
	[sflag:s6] =	ssyncadd.s32 @!p0 $0xFFFFFFFF  }
0x2b: {  	s26 =	simm.s32 $0x1B8E;
	s25 =	sld [smem:$0x3FFE];
	[sflag:s5] =	ssyncadd.remote.s32 @!p0 $0x1  }
0x2c: {  	s27 =	simm.s32 $execute0_lowered;
	[smem:$0x3FD2] =	sst s26  }
0x2d: {  	s6 =	sshll.u32 s27, $0x1;
	_ =	strace $0x80000049;
	[dreg:$0x1] =	wrdreg $0xFFFFFFFF  }
0x2e: {  	s28 =	simm.s32 $_size_execute0_lowered;
	s4 =	sadd.s32 s4, s6;
	[dreg:$0x0] =	wrdreg $0x0  }
0x2f: {  	s6 =	sshll.u32 s28, $0x1;
	[dreg:$0x2] =	wrdreg s4  }
0x30: {  	[dreg:$0x3] =	wrdreg s6  }
0x31: {  	[dreg:$0x4] =	wrdreg $0xC0  }
0x32: {  	_ =	task [dreg:s23], $0x5FFFF  }
0x33: {  	[dreg:$0x1] =	wrdreg $0xFFFFFFFF  }
0x34: {  	[dreg:$0x0] =	wrdreg $0x60  }
0x35: {  	[dreg:$0x2] =	wrdreg s19  }
0x36: {  	[dreg:$0x3] =	wrdreg s25  }
0x37: {  	[dreg:$0x4] =	wrdreg $0x9  }
0x38: {  	_ =	task.clear_ibuf [dreg:s23], $0x5FFFF;
	_ =	strace $0x90000049  }
0x39: {  	s29 =	simm.s32 $0x9;
	_ =	strace $0x8000004B  }
0x3a: {  	_ =	swait.ge [sflag:s29], $0x1  }
0x3b: {  	[sflag:s29] =	ssyncadd.s32 $0xFFFFFFFF  }
0x3c: {  	_ =	strace $0x9000004B  }
0x3d: {  	_ =	sfence  }
0x3e: {  	s30 =	sld [smem:$0x0];
	_ =	sdelay $0x2  }
0x3f: {  	s31 =	sshll.u32 s1, $0xD;
	s1 =	sshrl.u32 s1, $0x2  }
0x40: {  	s4 =	sand.u32 $0x4000, s31;
	s1 =	sadd.s32 s1, s30  }
0x41: {  	s0 =	sor.u32 s4, s0;
	s1 =	sshll.u32 s1, $0x11  }
0x42: {  	s0 =	sor.u32 s1, s0  }
0x43: {  	s0 =	sadd.s32 $0x8F2B, s0  }
0x44: {  	[sflag:s0] =	ssyncadd.remote.s32 $0x1  }
0x45: {  	_ =	sfence.sel $0xFFFF  }
0x46: {  	[dreg:$0x0] =	wrdreg $0xFFFFFFFF;
	(pc) =	sbr.abs _section_cstart, $3  }
0x47: {  	[dreg:$0x1] =	wrdreg $0xFFFFFFFF  }
0x48: {  	_ =	task.clear_ibuf [dreg:s23], $0x2FFFF;
	_ =	strace $0x9FFFFFFF  }
0x49: {  	(tm) =	ssettm $0x7FFFFFFF  }
tec
execute0_lowered:
.L_overlay_start_1:
0x0: {  	(tag) =	ssettag $0x1  }
0x1: {  	s0 =	srdreg.scid  }
0x2: {  	s1 =	sshll.u32 s0, $0x4  }
0x3: {  	s2 =	rddreg [dreg:$0x0];
	s0 =	stileid.u32;
	s1 =	sand.u32 $0x10, s1  }
0x4: {  	s4 =	rddreg [dreg:$0x1];
	s7 =	simm.s32 $0x1;
	s1 =	sor.u32 s0, s1  }
0x5: {  	s8 =	simm.s32 $0x2;
	s9 =	simm.s32 $0x0;
	s3 =	sshll.u32 s1, $0x3  }
0x6: {  	s12 =	simm.s32 $0x0;
	s11 =	simm.s32 $0x0;
	s6 =	ssub.s32 $0x4000, s3  }
.Ltmp0:
0x7: {  	s4 =	sadd.s32 $0x80000, s4;
	s5 =	sand.u32 $0xF8, s6;
	(pc) =	sbr.rel .LBB1_1-.Ltmp0, $4  }
0x8: {  	s1 =	rddreg [dreg:$0x2];
	_ =	strace $0x8000004A;
	p0 =	sne.s32 s5, $0x0  }
0x9: {  	s6 =	sshrl.u32 s6, $0x8;
	s5 =	simm.s32 $0x1;
	s7 =	simm.s32 @!p0 $0x0  }
0xa: {  	s10 =	smov.u32 s3;
	[sflag:s5] =	ssyncpa.u1 $0x0;
	s6 =	sadd.s32 s7, s6  }
0xb: {  	[sflag:s8] =	ssyncpa.u1 $0x0;
	s8 =	simm.s32 $0x0;
	s7 =	sadd.s32 $0x1, s6  }
.LBB1_9:
0xc: {  	s14 =	sadd.s32 $0x100, s10  }
0xd: {  	p1 =	sgt.s32 s14, $0x3FFF  }
0xe: {  	s14 =	smov.u32 @p1 s3;
	p1 =	sne.s32 s11, s7  }
.Ltmp1:
0xf: {  	p0 =	slt.u32 s11, $0x2;
	(pc) =	sbr.rel @!p1 .LBB1_10-.Ltmp1, $4  }
0x10: {  	s13 =	simm.s32 @!p0 $0x2  }
0x11: {  	s15 =	sadd.s32 $0x1, s11;
	_ =	swait.ge @!p0 [sflag:s13], $0x4000  }
0x12: {  	s12 =	smov.u32 s10;
	s9 =	sadd.s32 $0x4000, s9;
	[sflag:s13] =	ssyncset.done @!p0 $0x0  }
0x13: {  	s11 =	smov.u32 s15;
	s10 =	smov.u32 s14;
	[sflag:s13] =	ssyncadd.s32 @!p0 $0xFFFFC000  }
.LBB1_1:
0x14: {  	p0 =	sge.u32 s11, s6  }
0x15: {  	s13 =	sxor.u32 @!p0 $0xFFFFFFFF, s11  }
0x16: {  	s31 =	sadd.s32 $0xFFFFFFFF, s11;
	s14 =	sshll.u32 @!p0 s10, $0x8;
	s13 =	sshll.u32 @!p0 s13, $0xE  }
0x17: {  	s15 =	simm.s32 @!p0 $0x0;
	s14 =	sadd.s32 @!p0 s2, s14;
	s13 =	sand.u32 @!p0 $0x4000, s13  }
0x18: {  	[tilespmem:s13], [sflag:$0x1] =	stream.linear.gather @!p0 [hbm4b:s14+s15], $0x4000, $0x38;
	[tilespmem:$0x10000] =	vst v63  }
0x19: {  	p0 =	sge.u32 s31, s6  }
.Ltmp2:
0x1a: {  	_ = 	snop;
	(pc) =	sbr.rel @p0 .LBB1_9-.Ltmp2, $1  }
0x1b: {  	_ =	sdelay $0x3  }
0x1c: {  	s13 =	sshll.u32 s9, $0x2;
	_ =	swait.ge [sflag:s5], $0x4000;
	s14 =	sshll.u32 s11, $0xE  }
0x1d: {  	s16 =	simm.s32 $0x0;
	s17 =	simm.s32 $0x0;
	s15 =	sand.u32 $0x10000, s13  }
0x1e: {  	[sflag:s5] =	ssyncset.done $0x0;
	s31 =	sand.u32 $0x4000, s14;
	s14 =	sshrl.u32 s15, $0x2  }
0x1f: {  	[sflag:s5] =	ssyncadd.s32 $0xFFFFC000;
	s13 =	sor.u32 $0x8000, s31;
	s15 =	sor.u32 $0x8000, s14  }
.LBB1_3:
0x20: {  	s18 =	sshra.s32 s16, $0x2  }
0x21: {  	v0 =	vmov s18;
	_ =	sdelay $0x3  }
0x22: {  	p1 =	por $0x1, $0x1;
	s18 =	simm.s32 $0x0  }
.LBB1_4:
0x23: {  	_ = 	snop  }
0x24: {  	s19 =	sshll.u32 s18, $0xA  }
0x25: {  	s19 =	sand.u32 $0x3FFFFC00, s19  }
0x26: {  	s19 =	sadd.s32 s19, s14  }
0x27: {  	v5 =	vld.idx.msk [tilespmem:v0+s19+$0x70 ss:$0x1], $0xffff  }
0x28: {  	v6 =	vld.idx.msk [tilespmem:v0+s19+$0x10 ss:$0x1], $0xffff  }
0x29: {  	v7 =	vld.idx.msk [tilespmem:v0+s19+$0x20 ss:$0x1], $0xffff  }
0x2a: {  	s31 =	sshll.u32 s18, $0x7;
	v1 =	vld.idx.msk [tilespmem:v0+s19+$0x30 ss:$0x1], $0xffff  }
0x2b: {  	s18 =	sand.u32 $0x3FFFFF80, s31;
	v2 =	vld.idx.msk [tilespmem:v0+s19+$0x40 ss:$0x1], $0xffff  }
0x2c: {  	s18 =	sadd.s32 s18, s15;
	v3 =	vld.idx.msk [tilespmem:v0+s19+$0x50 ss:$0x1], $0xffff  }
0x2d: {  	v4 =	vld.idx.msk [tilespmem:v0+s19+$0x60 ss:$0x1], $0xffff;
	[tilespmem:v0+s18+$0x70 ss:$0x1] =	vst.idx.msk $0xffff, v5  }
0x2e: {  	v5 =	vld.idx.msk [tilespmem:v0+s19+$0x0 ss:$0x1], $0xffff;
	[tilespmem:v0+s18+$0x10 ss:$0x1] =	vst.idx.msk $0xffff, v6;
	s19 =	sadd.s32 $0x80, s19  }
0x2f: {  	p0 =	por p1, p1;
	s20 =	simm.s32 $0x6;
	[tilespmem:v0+s18+$0x20 ss:$0x1] =	vst.idx.msk $0xffff, v7;
	v6 =	vld.idx.msk [tilespmem:v0+s19+$0x70 ss:$0x1], $0xffff  }
.LBB1_5:
0x30: {  	p1 =	sne.s32 s20, $0x1;
	v7 =	vld.idx.msk [tilespmem:v0+s19+$0x10 ss:$0x1], $0xffff;
	[tilespmem:v0+s18+$0x30 ss:$0x1] =	vst.idx.msk $0xffff, v1  }
0x31: {  	v8 =	vld.idx.msk [tilespmem:v0+s19+$0x20 ss:$0x1], $0xffff;
	[tilespmem:v0+s18+$0x40 ss:$0x1] =	vst.idx.msk $0xffff, v2  }
0x32: {  	v1 =	vld.idx.msk [tilespmem:v0+s19+$0x30 ss:$0x1], $0xffff;
	[tilespmem:v0+s18+$0x50 ss:$0x1] =	vst.idx.msk $0xffff, v3  }
.Ltmp3:
0x33: {  	v2 =	vld.idx.msk [tilespmem:v0+s19+$0x40 ss:$0x1], $0xffff;
	[tilespmem:v0+s18+$0x60 ss:$0x1] =	vst.idx.msk $0xffff, v4;
	(pc) =	sbr.rel @p1 .LBB1_5-.Ltmp3, $4  }
0x34: {  	v3 =	vld.idx.msk [tilespmem:v0+s19+$0x50 ss:$0x1], $0xffff;
	[tilespmem:v0+s18+$0x0 ss:$0x1] =	vst.idx.msk $0xffff, v5;
	s18 =	sadd.s32 $0x100, s18  }
0x35: {  	v4 =	vld.idx.msk [tilespmem:v0+s19+$0x60 ss:$0x1], $0xffff;
	[tilespmem:v0+s18+$0x70 ss:$0x1] =	vst.idx.msk $0xffff, v6  }
0x36: {  	v5 =	vld.idx.msk [tilespmem:v0+s19+$0x0 ss:$0x1], $0xffff;
	[tilespmem:v0+s18+$0x10 ss:$0x1] =	vst.idx.msk $0xffff, v7;
	s19 =	sadd.s32 $0x80, s19  }
0x37: {  	s20 =	sadd.s32 $0xFFFFFFFF, s20;
	v6 =	vld.idx.msk [tilespmem:v0+s19+$0x70 ss:$0x1], $0xffff;
	[tilespmem:v0+s18+$0x20 ss:$0x1] =	vst.idx.msk $0xffff, v8  }
0x38: {  	_ =	sdelay $0x3  }
0x39: {  	[tilespmem:v0+s18+$0x30 ss:$0x1] =	vst.idx.msk $0xffff, v1  }
0x3a: {  	v1 =	vld.idx.msk [tilespmem:v0+s19+$0x10 ss:$0x1], $0xffff;
	[tilespmem:v0+s18+$0x40 ss:$0x1] =	vst.idx.msk $0xffff, v2  }
0x3b: {  	v2 =	vld.idx.msk [tilespmem:v0+s19+$0x20 ss:$0x1], $0xffff;
	[tilespmem:v0+s18+$0x50 ss:$0x1] =	vst.idx.msk $0xffff, v3  }
0x3c: {  	v61 =	vld.idx.msk [tilespmem:v0+s19+$0x40 ss:$0x1], $0xffff;
	[tilespmem:v0+s18+$0x60 ss:$0x1] =	vst.idx.msk $0xffff, v4  }
0x3d: {  	s31 =	sadd.s32 $0x100, s18;
	v62 =	vld.idx.msk [tilespmem:v0+s19+$0x50 ss:$0x1], $0xffff;
	[tilespmem:v0+s18+$0x0 ss:$0x1] =	vst.idx.msk $0xffff, v5  }
0x3e: {  	v63 =	vld.idx.msk [tilespmem:v0+s19+$0x60 ss:$0x1], $0xffff;
	[tilespmem:v0+s31+$0x70 ss:$0x1] =	vst.idx.msk $0xffff, v6  }
0x3f: {  	v3 =	vld.idx.msk [tilespmem:v0+s19+$0x30 ss:$0x1], $0xffff;
	[tilespmem:v0+s31+$0x10 ss:$0x1] =	vst.idx.msk $0xffff, v1  }
0x40: {  	v1 =	vld.idx.msk [tilespmem:v0+s19+$0x0 ss:$0x1], $0xffff;
	[tilespmem:v0+s31+$0x20 ss:$0x1] =	vst.idx.msk $0xffff, v2  }
.Ltmp4:
0x41: {  	[tilespmem:v0+s31+$0x40 ss:$0x1] =	vst.idx.msk $0xffff, v61;
	(pc) =	sbr.rel @p0 .LBB1_4-.Ltmp4, $4  }
0x42: {  	[tilespmem:v0+s31+$0x50 ss:$0x1] =	vst.idx.msk $0xffff, v62  }
0x43: {  	[tilespmem:v0+s31+$0x60 ss:$0x1] =	vst.idx.msk $0xffff, v63  }
0x44: {  	[tilespmem:v0+s31+$0x30 ss:$0x1] =	vst.idx.msk $0xffff, v3  }
0x45: {  	p1 =	por $0x0, $0x0;
	s18 =	simm.s32 $0x1;
	[tilespmem:v0+s31+$0x0 ss:$0x1] =	vst.idx.msk $0xffff, v1  }
0x46: {  	s17 =	sadd.s32 $0x1, s17  }
0x47: {  	p0 =	sne.s32 s17, $0x8  }
.Ltmp5:
0x48: {  	_ = 	snop;
	(pc) =	sbr.rel @p0 .LBB1_3-.Ltmp5, $2  }
0x49: {  	_ =	sdelay $0x2  }
0x4a: {  	s16 =	sadd.s32 $0x2000, s16  }
.Ltmp6:
0x4b: {  	(pc) =	sbr.rel .LBB1_9-.Ltmp6, $4  }
0x4c: {  	_ = 	snop  }
0x4d: {  	s12 =	sshll.u32 s12, $0x8  }
0x4e: {  	s12 =	sadd.s32 s4, s12  }
0x4f: {  	[hbm4b:s12+s8] =	stream.linear.scatter [tilespmem:s13], [sflag:$0x2], $0x4000, $0x38;
	[tilespmem:$0x10000] =	vst v63  }
.LBB1_10:
0x50: {  	_ =	sfence.sel $0x180000  }
0x51: {  	s2 =	simm.s32 $0x1;
	[bflag:$0x0] =	sbarrier.arrive $0xFFFF  }
0x52: {  	s31 =	simm.s32 $0x2;
	[sflag:s2] =	ssyncpa.u1 $0x1  }
0x53: {  	[sflag:s31] =	ssyncpa.u1 $0x1  }
0x54: {  	p0 =	sne.s32 s0, $0x0;
	_ =	strace $0x9000004A  }
0x55: {  	s0 =	sadd.s32 @!p0 $0x100000, s1;
	[bflag:$0x2] =	sbarrier.arrive $0xFFFF  }
0x56: {  	[sflag:s0] =	ssyncadd.tile.s32 @!p0 $0x1;
	_ =	shalt  }
.Lfunc_end1:
_tile_overlayer_lowered:
.L_overlay_start_2:
0x57: {  	(tag) =	ssettag $0x2  }
0x58: {  	s0 =	rddreg [dreg:$0x0];
	s2 =	stileid.u32  }
0x59: {  	s1 =	rddreg [dreg:$0x1];
	p0 =	sne.s32 s2, $0x0  }
0x5a: {  	s3 =	rddreg [dreg:$0x2];
	[bflag:$0x3] =	sbarrier.arrive $0xFFFF;
	s2 =	simm.s32 @!p0 $0x1C01  }
0x5b: {  	[timem:s3], [sflag:s2] =	dma.local @!p0 [hbm:s0], s1  }
0x5c: {  	s0 =	simm.s32 @!p0 $0x1  }
0x5d: {  	_ =	swait.ge @!p0 [sflag:s0], s1  }
0x5e: {  	s1 =	ssub.s32 @!p0 $0x0, s1;
	[sflag:s0] =	ssyncset.done @!p0 $0x0  }
0x5f: {  	[sflag:s0] =	ssyncadd.s32 @!p0 s1  }
0x60: {  	[bflag:$0x3] =	sbarrier.arrive $0xFFFF  }
0x61: {  	_ =	shalt  }

</sc_bundles>
